<compile_context>
chip_gen: v7x
topology: tpu7x:2x2x1
jax: 0.10.2.dev20260603
libtpu: 0.0.44.dev20260713+nightly
codegen_flags: <defaults>
</compile_context>

<pallas_src>
import functools

import jax
import jax.numpy as jnp
from jax import lax
from jax.experimental import pallas as pl
from jax.experimental.pallas import tpu as pltpu
from jax.experimental.pallas import tpu_sc as plsc

NC = 2
NS = 16
CHUNK = 128
D = 128
G = 8
DG = D // G
WB = 320


def _sc_aggregate(feat16, sidx3, dst2, zeros, ones, *, npad, cw):
    rpt = npad // NS
    gpc = G // NC
    mesh = plsc.VectorSubcoreMesh(
        core_axis_name="c", subcore_axis_name="s", num_cores=NC, num_subcores=NS
    )

    @functools.partial(
        pl.kernel,
        out_type=(
            jax.ShapeDtypeStruct((npad, D), jnp.float32),
            jax.ShapeDtypeStruct((npad, DG), jnp.float32),
        ),
        mesh=mesh,
        compiler_params=pltpu.CompilerParams(use_tc_tiling_on_sc=False),
        scratch_types=[
            pltpu.VMEM((cw, CHUNK), jnp.int32),
            pltpu.VMEM((cw, CHUNK), jnp.int32),
            pltpu.VMEM((4, CHUNK, DG), jnp.float32),
            pltpu.VMEM((CHUNK, DG), jnp.float32),
            pltpu.VMEM_SHARED((npad, DG), jnp.float32),
            pltpu.SemaphoreType.DMA((4,)),
            pltpu.SemaphoreType.DMA((4,)),
        ],
    )
    def sc_agg(
        feat_hbm, sidx_hbm, dst_hbm, z_hbm, ones_hbm,
        agg_out, deg_out,
        sidx_v, didx_v, rows_v, ones_v, acc_sh, sem, sem_s,
    ):
        cid = lax.axis_index("c")
        sid = lax.axis_index("s")
        r0 = pl.multiple_of(sid * rpt, 8)
        c0 = sid * cw
        pltpu.sync_copy(ones_hbm, ones_v)
        pltpu.sync_copy(dst_hbm.at[pl.ds(c0, cw)], didx_v)

        def zero_acc():
            for j in range(rpt // WB):
                pltpu.sync_copy(z_hbm, acc_sh.at[pl.ds(r0 + j * WB, WB)])

        def gather_issue(t, b):
            pltpu.async_copy(feat_hbm.at[sidx_v.at[t]], rows_v.at[b], sem.at[b])

        def gather_wait(b):
            pltpu.make_async_copy(
                feat_hbm.at[sidx_v.at[0]], rows_v.at[b], sem.at[b]
            ).wait()

        def scatter_issue(t, b):
            pltpu.async_copy(
                rows_v.at[b], acc_sh.at[didx_v.at[t]], sem_s.at[b], add=True
            )

        def scatter_wait(b):
            pltpu.make_async_copy(
                rows_v.at[b], acc_sh.at[didx_v.at[0]], sem_s.at[b]
            ).wait()

        for gi in range(gpc):
            g = cid * gpc + gi
            zero_acc()
            pltpu.sync_copy(sidx_hbm.at[g, pl.ds(c0, cw)], sidx_v)
            plsc.subcore_barrier()

            for t in range(3):
                gather_issue(t, t)

            def step(t, carry):
                q = lax.rem(t, 4)

                @pl.when(t + 3 < cw)
                def _():
                    qn = lax.rem(t + 3, 4)

                    @pl.when(t >= 1)
                    def _():
                        scatter_wait(qn)

                    gather_issue(t + 3, qn)

                gather_wait(q)
                scatter_issue(t, q)
                return carry

            lax.fori_loop(0, cw, step, 0)
            for r in range(max(0, cw - 4), cw):
                scatter_wait(r % 4)

            plsc.subcore_barrier()
            for j in range(rpt // WB):
                pltpu.sync_copy(
                    acc_sh.at[pl.ds(r0 + j * WB, WB)],
                    agg_out.at[pl.ds(r0 + j * WB, WB), pl.ds(g * DG, DG)],
                )
            plsc.subcore_barrier()

        @pl.when(cid == 0)
        def _():
            zero_acc()
            plsc.subcore_barrier()

            def deg_issue(t, b):
                pltpu.async_copy(
                    ones_v, acc_sh.at[didx_v.at[t]], sem.at[b], add=True
                )

            def deg_wait(b):
                pltpu.make_async_copy(
                    ones_v, acc_sh.at[didx_v.at[0]], sem.at[b]
                ).wait()

            for t in range(min(4, cw)):
                deg_issue(t, t)

            def deg_step(t, carry):
                q = lax.rem(t, 4)
                deg_wait(q)

                @pl.when(t + 4 < cw)
                def _():
                    deg_issue(t + 4, q)

                return carry

            lax.fori_loop(0, cw, deg_step, 0)
            plsc.subcore_barrier()
            for j in range(rpt // WB):
                pltpu.sync_copy(
                    acc_sh.at[pl.ds(r0 + j * WB, WB)],
                    deg_out.at[pl.ds(r0 + j * WB, WB)],
                )

    return sc_agg(feat16, sidx3, dst2, zeros, ones)


def _tc_finish(agg_p, deg_p, W, b2, *, n):

    def tc_body(agg_ref, deg_ref, w_ref, b_ref, out_ref):
        inv = 1.0 / jnp.maximum(deg_ref[:, 0:1], 1.0)
        h = agg_ref[...] * inv
        y = lax.dot_general(
            h, w_ref[...], (((1,), (1,)), ((), ())),
            preferred_element_type=jnp.float32,
        )
        out_ref[...] = y[:n] + b_ref[...]

    return pl.pallas_call(
        tc_body,
        out_shape=jax.ShapeDtypeStruct((n, D), jnp.float32),
    )(agg_p, deg_p, W, b2)


def kernel(feature, edge_index, W, b):
    n = feature.shape[0]
    e = edge_index.shape[1]
    npad = (-(n + 1) // (NS * WB)) * -(NS * WB) if n >= NS * WB else NS * WB
    cw = -(-e // (NS * CHUNK))
    e_pad = cw * NS * CHUNK

    src = edge_index[0].astype(jnp.int32)
    dst = edge_index[1].astype(jnp.int32)
    if e_pad != e:
        src = jnp.concatenate([src, jnp.zeros((e_pad - e,), jnp.int32)])
        dst = jnp.concatenate([dst, jnp.full((e_pad - e,), n, jnp.int32)])

    nch = e_pad // CHUNK
    sidx3 = (src[None, :] * G + jnp.arange(G, dtype=jnp.int32)[:, None]
             ).reshape(G, nch, CHUNK)
    dst2 = dst.reshape(nch, CHUNK)
    feat16 = feature.reshape(n * G, DG)
    zeros = jnp.zeros((WB, DG), jnp.float32)
    ones = jnp.ones((CHUNK, DG), jnp.float32)

    agg_p, deg_p = _sc_aggregate(feat16, sidx3, dst2, zeros, ones,
                                 npad=npad, cw=cw)
    return _tc_finish(agg_p, deg_p, W, b.reshape(1, D), n=n)

# --- scband reference (transcript-rebuilt; emitter-appended) ---
"""Pipeline reference for scband-gnnlayer-7516192768269 (READ-ONLY COPY).

The authoritative reference and input builder live on the scoring server;
editing this copy changes nothing except your own understanding.
"""

import jax, jax.numpy as jnp
import numpy as np

N_NODES = 10000
N_EDGES = 320000
D_IN = 128
D_OUT = 128


def setup_inputs(seed: int = 0) -> dict:
    key = jax.random.key(seed)
    k1, k2, k3, k4 = jax.random.split(key, 4)
    feature = jax.random.normal(k1, (N_NODES, D_IN), dtype=jnp.float32)
    edge_index = jax.random.randint(k2, (2, N_EDGES), 0, N_NODES, dtype=jnp.int64)
    # Linear layer params (xavier-uniform weight, zero-ish bias like torch default)
    limit = float(np.sqrt(6.0 / (D_IN + D_OUT)))
    W = jax.random.uniform(k3, (D_OUT, D_IN), minval=-limit, maxval=limit, dtype=jnp.float32)
    b = jax.random.uniform(k4, (D_OUT,), minval=-1.0 / np.sqrt(D_IN), maxval=1.0 / np.sqrt(D_IN), dtype=jnp.float32)
    return {"feature": feature, "edge_index": edge_index, "W": W, "b": b}


def reference(feature, edge_index, W, b):
    # DGL: g.update_all(copy_src('obs'->'m'), mean('m'->'obs')) then Linear.
    src = edge_index[0]
    dst = edge_index[1]
    n = feature.shape[0]
    # gather source features along edges (message = copy_src)
    msg = jnp.take(feature, src, axis=0)
    # mean-reduce messages at destination nodes
    agg = jax.ops.segment_sum(msg, dst, num_segments=n)
    deg = jax.ops.segment_sum(jnp.ones((msg.shape[0],), dtype=feature.dtype), dst, num_segments=n)
    h = agg / jnp.maximum(deg, 1.0)[:, None]
    # linear: h @ W.T + b
    return h @ W.T + b

if __name__ == "__main__":
    import jax
    _d = setup_inputs()
    print(jax.jit(kernel)(*tuple(_d.values())))

</pallas_src>

<mosaic_0001>
#map = affine_map<(d0, d1) -> (0, 0)>
#map1 = affine_map<(d0, d1) -> (0, 0, 0)>
module attributes {stable_mosaic.version = 14 : i64} {
  func.func @sc_agg(%arg0: i32, %arg1: i32, %arg2: memref<80000x16xf32, #tpu.memory_space<hbm>>, %arg3: memref<8x2512x128xi32, #tpu.memory_space<hbm>>, %arg4: memref<2512x128xi32, #tpu.memory_space<hbm>>, %arg5: memref<320x16xf32, #tpu.memory_space<hbm>>, %arg6: memref<128x16xf32, #tpu.memory_space<hbm>>, %arg7: memref<10240x128xf32, #tpu.memory_space<hbm>>, %arg8: memref<10240x16xf32, #tpu.memory_space<hbm>>, %arg9: memref<157x128xi32, #tpu.memory_space<vmem>>, %arg10: memref<157x128xi32, #tpu.memory_space<vmem>>, %arg11: memref<4x128x16xf32, #tpu.memory_space<vmem>>, %arg12: memref<128x16xf32, #tpu.memory_space<vmem>>, %arg13: memref<10240x16xf32, #tpu.memory_space<vmem_shared>>, %arg14: memref<4x!tpu.dma_semaphore, #tpu.memory_space<semaphore_mem>>, %arg15: memref<4x!tpu.dma_semaphore, #tpu.memory_space<semaphore_mem>>) attributes {dimension_semantics = [#tpu.dimension_semantics<core_parallel>, #tpu.dimension_semantics<subcore_parallel>], iteration_bounds = array<i64: 2, 16>, scalar_prefetch = 0 : i64, scratch_operands = 7 : i64, tpu.core_type = #tpu.core_type<sc_vector_subcore>, window_params = [{transform_indices = #map}, {transform_indices = #map1}, {transform_indices = #map}, {transform_indices = #map}, {transform_indices = #map}, {transform_indices = #map}, {transform_indices = #map}]} {
    %mul3A = arith.constant 640 : i32
    %mul3A_0 = arith.muli %arg1, %mul3A : i32
    %multiple_of3A = tpu.assume_multiple %mul3A_0, 8 : i32
    %mul3A_1 = arith.constant 157 : i32
    %mul3A_2 = arith.muli %arg1, %mul3A_1 : i32
    "tpu.region"() ({
      %run_scoped3A = tpu.sem_alloc : memref<!tpu.dma_semaphore, #tpu.memory_space<semaphore_mem>>
      tpu.enqueue_dma source(%arg6 : memref<128x16xf32, #tpu.memory_space<hbm>>) target(%arg12 : memref<128x16xf32, #tpu.memory_space<vmem>>) target_semaphore(%run_scoped3A : memref<!tpu.dma_semaphore, #tpu.memory_space<semaphore_mem>>)
      tpu.wait_dma2 semaphore(%run_scoped3A : memref<!tpu.dma_semaphore, #tpu.memory_space<semaphore_mem>>) src(%arg6 : memref<128x16xf32, #tpu.memory_space<hbm>>) dst(%arg12 : memref<128x16xf32, #tpu.memory_space<vmem>>)
      tpu.yield
    }) : () -> ()
    "tpu.region"() ({
      %run_scoped3A = tpu.sem_alloc : memref<!tpu.dma_semaphore, #tpu.memory_space<semaphore_mem>>
      %dma_start3A_536 = arith.constant 0 : i32
      %dma_start3A_537 = tpu.memref_slice %arg4[%mul3A_2, %dma_start3A_536] : memref<2512x128xi32, #tpu.memory_space<hbm>> -> memref<157x128xi32, #tpu.memory_space<hbm>>
      %dma_start3A_538 = arith.constant 0 : i32
      %dma_start3A_539 = tpu.memref_slice %arg4[%mul3A_2, %dma_start3A_538] : memref<2512x128xi32, #tpu.memory_space<hbm>> -> memref<157x128xi32, #tpu.memory_space<hbm>>
      tpu.enqueue_dma source(%dma_start3A_539 : memref<157x128xi32, #tpu.memory_space<hbm>>) target(%arg10 : memref<157x128xi32, #tpu.memory_space<vmem>>) target_semaphore(%run_scoped3A : memref<!tpu.dma_semaphore, #tpu.memory_space<semaphore_mem>>)
      %dma_wait3A_540 = arith.constant 0 : i32
      %dma_wait3A_541 = tpu.memref_slice %arg4[%mul3A_2, %dma_wait3A_540] : memref<2512x128xi32, #tpu.memory_space<hbm>> -> memref<157x128xi32, #tpu.memory_space<hbm>>
      %dma_wait3A_542 = arith.constant 0 : i32
      %dma_wait3A_543 = tpu.memref_slice %arg4[%mul3A_2, %dma_wait3A_542] : memref<2512x128xi32, #tpu.memory_space<hbm>> -> memref<157x128xi32, #tpu.memory_space<hbm>>
      tpu.wait_dma2 semaphore(%run_scoped3A : memref<!tpu.dma_semaphore, #tpu.memory_space<semaphore_mem>>) src(%dma_wait3A_543 : memref<157x128xi32, #tpu.memory_space<hbm>>) dst(%arg10 : memref<157x128xi32, #tpu.memory_space<vmem>>)
      tpu.yield
    }) : () -> ()
    %mul3A_3 = arith.constant 4 : i32
    %mul3A_4 = arith.muli %arg0, %mul3A_3 : i32
    %add3A = arith.constant 0 : i32
    %add3A_5 = arith.addi %mul3A_4, %add3A : i32
    %add3A_6 = arith.constant 0 : i32
    %add3A_7 = arith.addi %multiple_of3A, %add3A_6 : i32
    "tpu.region"() ({
      %run_scoped3A = tpu.sem_alloc : memref<!tpu.dma_semaphore, #tpu.memory_space<semaphore_mem>>
      %dma_start3A_536 = arith.constant 0 : i32
      %dma_start3A_537 = tpu.memref_slice %arg13[%add3A_7, %dma_start3A_536] : memref<10240x16xf32, #tpu.memory_space<vmem_shared>> -> memref<320x16xf32, #tpu.memory_space<vmem_shared>>
      tpu.enqueue_dma source(%arg5 : memref<320x16xf32, #tpu.memory_space<hbm>>) target(%dma_start3A_537 : memref<320x16xf32, #tpu.memory_space<vmem_shared>>) target_semaphore(%run_scoped3A : memref<!tpu.dma_semaphore, #tpu.memory_space<semaphore_mem>>)
      %dma_wait3A_538 = arith.constant 0 : i32
      %dma_wait3A_539 = tpu.memref_slice %arg13[%add3A_7, %dma_wait3A_538] : memref<10240x16xf32, #tpu.memory_space<vmem_shared>> -> memref<320x16xf32, #tpu.memory_space<vmem_shared>>
      tpu.wait_dma2 semaphore(%run_scoped3A : memref<!tpu.dma_semaphore, #tpu.memory_space<semaphore_mem>>) src(%arg5 : memref<320x16xf32, #tpu.memory_space<hbm>>) dst(%dma_wait3A_539 : memref<320x16xf32, #tpu.memory_space<vmem_shared>>)
      tpu.yield
    }) : () -> ()
    %add3A_8 = arith.constant 320 : i32
    %add3A_9 = arith.addi %multiple_of3A, %add3A_8 : i32
    "tpu.region"() ({
      %run_scoped3A = tpu.sem_alloc : memref<!tpu.dma_semaphore, #tpu.memory_space<semaphore_mem>>
      %dma_start3A_536 = arith.constant 0 : i32
      %dma_start3A_537 = tpu.memref_slice %arg13[%add3A_9, %dma_start3A_536] : memref<10240x16xf32, #tpu.memory_space<vmem_shared>> -> memref<320x16xf32, #tpu.memory_space<vmem_shared>>
      tpu.enqueue_dma source(%arg5 : memref<320x16xf32, #tpu.memory_space<hbm>>) target(%dma_start3A_537 : memref<320x16xf32, #tpu.memory_space<vmem_shared>>) target_semaphore(%run_scoped3A : memref<!tpu.dma_semaphore, #tpu.memory_space<semaphore_mem>>)
      %dma_wait3A_538 = arith.constant 0 : i32
      %dma_wait3A_539 = tpu.memref_slice %arg13[%add3A_9, %dma_wait3A_538] : memref<10240x16xf32, #tpu.memory_space<vmem_shared>> -> memref<320x16xf32, #tpu.memory_space<vmem_shared>>
      tpu.wait_dma2 semaphore(%run_scoped3A : memref<!tpu.dma_semaphore, #tpu.memory_space<semaphore_mem>>) src(%arg5 : memref<320x16xf32, #tpu.memory_space<hbm>>) dst(%dma_wait3A_539 : memref<320x16xf32, #tpu.memory_space<vmem_shared>>)
      tpu.yield
    }) : () -> ()
    "tpu.region"() ({
      %run_scoped3A = tpu.sem_alloc : memref<!tpu.dma_semaphore, #tpu.memory_space<semaphore_mem>>
      %dma_start3A_536 = arith.constant 0 : i32
      %dma_start3A_537 = tpu.memref_slice %arg3[%add3A_5, %mul3A_2, %dma_start3A_536] : memref<8x2512x128xi32, #tpu.memory_space<hbm>> -> memref<1x157x128xi32, #tpu.memory_space<hbm>>
      %dma_start3A_538 = tpu.memref_squeeze %dma_start3A_537 : memref<1x157x128xi32, #tpu.memory_space<hbm>> -> memref<157x128xi32, #tpu.memory_space<hbm>>
      %dma_start3A_539 = arith.constant 0 : i32
      %dma_start3A_540 = tpu.memref_slice %arg3[%add3A_5, %mul3A_2, %dma_start3A_539] : memref<8x2512x128xi32, #tpu.memory_space<hbm>> -> memref<1x157x128xi32, #tpu.memory_space<hbm>>
      %dma_start3A_541 = tpu.memref_squeeze %dma_start3A_540 : memref<1x157x128xi32, #tpu.memory_space<hbm>> -> memref<157x128xi32, #tpu.memory_space<hbm>>
      tpu.enqueue_dma source(%dma_start3A_541 : memref<157x128xi32, #tpu.memory_space<hbm>>) target(%arg9 : memref<157x128xi32, #tpu.memory_space<vmem>>) target_semaphore(%run_scoped3A : memref<!tpu.dma_semaphore, #tpu.memory_space<semaphore_mem>>)
      %dma_wait3A_542 = arith.constant 0 : i32
      %dma_wait3A_543 = tpu.memref_slice %arg3[%add3A_5, %mul3A_2, %dma_wait3A_542] : memref<8x2512x128xi32, #tpu.memory_space<hbm>> -> memref<1x157x128xi32, #tpu.memory_space<hbm>>
      %dma_wait3A_544 = tpu.memref_squeeze %dma_wait3A_543 : memref<1x157x128xi32, #tpu.memory_space<hbm>> -> memref<157x128xi32, #tpu.memory_space<hbm>>
      %dma_wait3A_545 = arith.constant 0 : i32
      %dma_wait3A_546 = tpu.memref_slice %arg3[%add3A_5, %mul3A_2, %dma_wait3A_545] : memref<8x2512x128xi32, #tpu.memory_space<hbm>> -> memref<1x157x128xi32, #tpu.memory_space<hbm>>
      %dma_wait3A_547 = tpu.memref_squeeze %dma_wait3A_546 : memref<1x157x128xi32, #tpu.memory_space<hbm>> -> memref<157x128xi32, #tpu.memory_space<hbm>>
      tpu.wait_dma2 semaphore(%run_scoped3A : memref<!tpu.dma_semaphore, #tpu.memory_space<semaphore_mem>>) src(%dma_wait3A_547 : memref<157x128xi32, #tpu.memory_space<hbm>>) dst(%arg9 : memref<157x128xi32, #tpu.memory_space<vmem>>)
      tpu.yield
    }) : () -> ()
    %barrier3A = arith.constant 0 : index
    tpu.barrier barrier_id(%barrier3A)
    %dma_start3A = arith.constant 0 : i32
    %dma_start3A_10 = arith.constant 0 : i32
    %dma_start3A_11 = arith.constant 0 : i32
    %dma_start3A_12 = arith.constant 0 : i32
    %dma_start3A_13 = arith.constant 0 : i32
    %dma_start3A_14 = tpu.memref_slice %arg11[%dma_start3A_10, %dma_start3A_12, %dma_start3A_13] : memref<4x128x16xf32, #tpu.memory_space<vmem>> -> memref<1x128x16xf32, #tpu.memory_space<vmem>>
    %dma_start3A_15 = tpu.memref_squeeze %dma_start3A_14 : memref<1x128x16xf32, #tpu.memory_space<vmem>> -> memref<128x16xf32, #tpu.memory_space<vmem>>
    %dma_start3A_16 = arith.constant 0 : i32
    %dma_start3A_17 = tpu.memref_slice %arg9[%dma_start3A, %dma_start3A_16] : memref<157x128xi32, #tpu.memory_space<vmem>> -> memref<1x128xi32, #tpu.memory_space<vmem>>
    %dma_start3A_18 = tpu.memref_squeeze %dma_start3A_17 : memref<1x128xi32, #tpu.memory_space<vmem>> -> memref<128xi32, #tpu.memory_space<vmem>>
    %dma_start3A_19 = arith.constant 0 : i32
    %dma_start3A_20 = arith.constant 0 : i32
    %dma_start3A_21 = tpu.memref_slice %arg2[%dma_start3A_19, %dma_start3A_20] : memref<80000x16xf32, #tpu.memory_space<hbm>> -> memref<80000x16xf32, #tpu.memory_space<hbm>>
    %dma_start3A_22 = tpu.memref_slice %arg14[%dma_start3A_11] : memref<4x!tpu.dma_semaphore, #tpu.memory_space<semaphore_mem>> -> memref<1x!tpu.dma_semaphore, #tpu.memory_space<semaphore_mem>>
    %dma_start3A_23 = tpu.memref_squeeze %dma_start3A_22 : memref<1x!tpu.dma_semaphore, #tpu.memory_space<semaphore_mem>> -> memref<!tpu.dma_semaphore, #tpu.memory_space<semaphore_mem>>
    tpu.enqueue_indirect_dma source(%dma_start3A_21 : memref<80000x16xf32, #tpu.memory_space<hbm>>) target(%dma_start3A_15 : memref<128x16xf32, #tpu.memory_space<vmem>>) offsets(%dma_start3A_18 : memref<128xi32, #tpu.memory_space<vmem>>) semaphore(%dma_start3A_23 : memref<!tpu.dma_semaphore, #tpu.memory_space<semaphore_mem>>)
    %dma_start3A_24 = arith.constant 1 : i32
    %dma_start3A_25 = arith.constant 1 : i32
    %dma_start3A_26 = arith.constant 1 : i32
    %dma_start3A_27 = arith.constant 0 : i32
    %dma_start3A_28 = arith.constant 0 : i32
    %dma_start3A_29 = tpu.memref_slice %arg11[%dma_start3A_25, %dma_start3A_27, %dma_start3A_28] : memref<4x128x16xf32, #tpu.memory_space<vmem>> -> memref<1x128x16xf32, #tpu.memory_space<vmem>>
    %dma_start3A_30 = tpu.memref_squeeze %dma_start3A_29 : memref<1x128x16xf32, #tpu.memory_space<vmem>> -> memref<128x16xf32, #tpu.memory_space<vmem>>
    %dma_start3A_31 = arith.constant 0 : i32
    %dma_start3A_32 = tpu.memref_slice %arg9[%dma_start3A_24, %dma_start3A_31] : memref<157x128xi32, #tpu.memory_space<vmem>> -> memref<1x128xi32, #tpu.memory_space<vmem>>
    %dma_start3A_33 = tpu.memref_squeeze %dma_start3A_32 : memref<1x128xi32, #tpu.memory_space<vmem>> -> memref<128xi32, #tpu.memory_space<vmem>>
    %dma_start3A_34 = arith.constant 0 : i32
    %dma_start3A_35 = arith.constant 0 : i32
    %dma_start3A_36 = tpu.memref_slice %arg2[%dma_start3A_34, %dma_start3A_35] : memref<80000x16xf32, #tpu.memory_space<hbm>> -> memref<80000x16xf32, #tpu.memory_space<hbm>>
    %dma_start3A_37 = tpu.memref_slice %arg14[%dma_start3A_26] : memref<4x!tpu.dma_semaphore, #tpu.memory_space<semaphore_mem>> -> memref<1x!tpu.dma_semaphore, #tpu.memory_space<semaphore_mem>>
    %dma_start3A_38 = tpu.memref_squeeze %dma_start3A_37 : memref<1x!tpu.dma_semaphore, #tpu.memory_space<semaphore_mem>> -> memref<!tpu.dma_semaphore, #tpu.memory_space<semaphore_mem>>
    tpu.enqueue_indirect_dma source(%dma_start3A_36 : memref<80000x16xf32, #tpu.memory_space<hbm>>) target(%dma_start3A_30 : memref<128x16xf32, #tpu.memory_space<vmem>>) offsets(%dma_start3A_33 : memref<128xi32, #tpu.memory_space<vmem>>) semaphore(%dma_start3A_38 : memref<!tpu.dma_semaphore, #tpu.memory_space<semaphore_mem>>)
    %dma_start3A_39 = arith.constant 2 : i32
    %dma_start3A_40 = arith.constant 2 : i32
    %dma_start3A_41 = arith.constant 2 : i32
    %dma_start3A_42 = arith.constant 0 : i32
    %dma_start3A_43 = arith.constant 0 : i32
    %dma_start3A_44 = tpu.memref_slice %arg11[%dma_start3A_40, %dma_start3A_42, %dma_start3A_43] : memref<4x128x16xf32, #tpu.memory_space<vmem>> -> memref<1x128x16xf32, #tpu.memory_space<vmem>>
    %dma_start3A_45 = tpu.memref_squeeze %dma_start3A_44 : memref<1x128x16xf32, #tpu.memory_space<vmem>> -> memref<128x16xf32, #tpu.memory_space<vmem>>
    %dma_start3A_46 = arith.constant 0 : i32
    %dma_start3A_47 = tpu.memref_slice %arg9[%dma_start3A_39, %dma_start3A_46] : memref<157x128xi32, #tpu.memory_space<vmem>> -> memref<1x128xi32, #tpu.memory_space<vmem>>
    %dma_start3A_48 = tpu.memref_squeeze %dma_start3A_47 : memref<1x128xi32, #tpu.memory_space<vmem>> -> memref<128xi32, #tpu.memory_space<vmem>>
    %dma_start3A_49 = arith.constant 0 : i32
    %dma_start3A_50 = arith.constant 0 : i32
    %dma_start3A_51 = tpu.memref_slice %arg2[%dma_start3A_49, %dma_start3A_50] : memref<80000x16xf32, #tpu.memory_space<hbm>> -> memref<80000x16xf32, #tpu.memory_space<hbm>>
    %dma_start3A_52 = tpu.memref_slice %arg14[%dma_start3A_41] : memref<4x!tpu.dma_semaphore, #tpu.memory_space<semaphore_mem>> -> memref<1x!tpu.dma_semaphore, #tpu.memory_space<semaphore_mem>>
    %dma_start3A_53 = tpu.memref_squeeze %dma_start3A_52 : memref<1x!tpu.dma_semaphore, #tpu.memory_space<semaphore_mem>> -> memref<!tpu.dma_semaphore, #tpu.memory_space<semaphore_mem>>
    tpu.enqueue_indirect_dma source(%dma_start3A_51 : memref<80000x16xf32, #tpu.memory_space<hbm>>) target(%dma_start3A_45 : memref<128x16xf32, #tpu.memory_space<vmem>>) offsets(%dma_start3A_48 : memref<128xi32, #tpu.memory_space<vmem>>) semaphore(%dma_start3A_53 : memref<!tpu.dma_semaphore, #tpu.memory_space<semaphore_mem>>)
    %scan3A = arith.constant 0 : i32
    %scan3A_54 = arith.constant 0 : i32
    %scan3A_55 = arith.constant 157 : i32
    %scan3A_56 = arith.addi %scan3A_54, %scan3A_55 : i32
    %scan3A_57 = arith.constant 1 : i32
    scf.for %scan3A_536 = %scan3A_54 to %scan3A_56 step %scan3A_57  : i32 {
      %rem3A = arith.constant 4 : i32
      %rem3A_537 = arith.remsi %scan3A_536, %rem3A : i32
      %add3A_538 = arith.constant 3 : i32
      %add3A_539 = arith.addi %scan3A_536, %add3A_538 : i32
      %lt3A = arith.constant 157 : i32
      %lt3A_540 = arith.cmpi slt, %add3A_539, %lt3A : i32
      %convert_element_type3A_541 = arith.extui %lt3A_540 : i1 to i32
      %cond3A_542 = arith.constant 0 : i32
      %cond3A_543 = arith.cmpi ne, %convert_element_type3A_541, %cond3A_542 : i32
      scf.if %cond3A_543 {
        %add3A_569 = arith.constant 3 : i32
        %add3A_570 = arith.addi %scan3A_536, %add3A_569 : i32
        %rem3A_571 = arith.constant 4 : i32
        %rem3A_572 = arith.remsi %add3A_570, %rem3A_571 : i32
        %ge3A = arith.constant 1 : i32
        %ge3A_573 = arith.cmpi sge, %scan3A_536, %ge3A : i32
        %convert_element_type3A_574 = arith.extui %ge3A_573 : i1 to i32
        %cond3A_575 = arith.constant 0 : i32
        %cond3A_576 = arith.cmpi ne, %convert_element_type3A_574, %cond3A_575 : i32
        scf.if %cond3A_576 {
          %dma_wait3A_591 = arith.constant 0 : i32
          %dma_wait3A_592 = arith.constant 0 : i32
          %dma_wait3A_593 = arith.constant 0 : i32
          %dma_wait3A_594 = tpu.memref_slice %arg11[%rem3A_572, %dma_wait3A_592, %dma_wait3A_593] : memref<4x128x16xf32, #tpu.memory_space<vmem>> -> memref<1x128x16xf32, #tpu.memory_space<vmem>>
          %dma_wait3A_595 = tpu.memref_squeeze %dma_wait3A_594 : memref<1x128x16xf32, #tpu.memory_space<vmem>> -> memref<128x16xf32, #tpu.memory_space<vmem>>
          %dma_wait3A_596 = arith.constant 0 : i32
          %dma_wait3A_597 = tpu.memref_slice %arg10[%dma_wait3A_591, %dma_wait3A_596] : memref<157x128xi32, #tpu.memory_space<vmem>> -> memref<1x128xi32, #tpu.memory_space<vmem>>
          %dma_wait3A_598 = tpu.memref_squeeze %dma_wait3A_597 : memref<1x128xi32, #tpu.memory_space<vmem>> -> memref<128xi32, #tpu.memory_space<vmem>>
          %dma_wait3A_599 = arith.constant 0 : i32
          %dma_wait3A_600 = arith.constant 0 : i32
          %dma_wait3A_601 = tpu.memref_slice %arg13[%dma_wait3A_599, %dma_wait3A_600] : memref<10240x16xf32, #tpu.memory_space<vmem_shared>> -> memref<10240x16xf32, #tpu.memory_space<vmem_shared>>
          %dma_wait3A_602 = tpu.memref_slice %arg15[%rem3A_572] : memref<4x!tpu.dma_semaphore, #tpu.memory_space<semaphore_mem>> -> memref<1x!tpu.dma_semaphore, #tpu.memory_space<semaphore_mem>>
          %dma_wait3A_603 = tpu.memref_squeeze %dma_wait3A_602 : memref<1x!tpu.dma_semaphore, #tpu.memory_space<semaphore_mem>> -> memref<!tpu.dma_semaphore, #tpu.memory_space<semaphore_mem>>
          tpu.wait_indirect_dma semaphore(%dma_wait3A_603 : memref<!tpu.dma_semaphore, #tpu.memory_space<semaphore_mem>>) src(%dma_wait3A_595 : memref<128x16xf32, #tpu.memory_space<vmem>>) dst(%dma_wait3A_601 : memref<10240x16xf32, #tpu.memory_space<vmem_shared>>)
        } else {
        }
        %add3A_577 = arith.constant 3 : i32
        %add3A_578 = arith.addi %scan3A_536, %add3A_577 : i32
        %dma_start3A_579 = arith.constant 0 : i32
        %dma_start3A_580 = arith.constant 0 : i32
        %dma_start3A_581 = tpu.memref_slice %arg11[%rem3A_572, %dma_start3A_579, %dma_start3A_580] : memref<4x128x16xf32, #tpu.memory_space<vmem>> -> memref<1x128x16xf32, #tpu.memory_space<vmem>>
        %dma_start3A_582 = tpu.memref_squeeze %dma_start3A_581 : memref<1x128x16xf32, #tpu.memory_space<vmem>> -> memref<128x16xf32, #tpu.memory_space<vmem>>
        %dma_start3A_583 = arith.constant 0 : i32
        %dma_start3A_584 = tpu.memref_slice %arg9[%add3A_578, %dma_start3A_583] : memref<157x128xi32, #tpu.memory_space<vmem>> -> memref<1x128xi32, #tpu.memory_space<vmem>>
        %dma_start3A_585 = tpu.memref_squeeze %dma_start3A_584 : memref<1x128xi32, #tpu.memory_space<vmem>> -> memref<128xi32, #tpu.memory_space<vmem>>
        %dma_start3A_586 = arith.constant 0 : i32
        %dma_start3A_587 = arith.constant 0 : i32
        %dma_start3A_588 = tpu.memref_slice %arg2[%dma_start3A_586, %dma_start3A_587] : memref<80000x16xf32, #tpu.memory_space<hbm>> -> memref<80000x16xf32, #tpu.memory_space<hbm>>
        %dma_start3A_589 = tpu.memref_slice %arg14[%rem3A_572] : memref<4x!tpu.dma_semaphore, #tpu.memory_space<semaphore_mem>> -> memref<1x!tpu.dma_semaphore, #tpu.memory_space<semaphore_mem>>
        %dma_start3A_590 = tpu.memref_squeeze %dma_start3A_589 : memref<1x!tpu.dma_semaphore, #tpu.memory_space<semaphore_mem>> -> memref<!tpu.dma_semaphore, #tpu.memory_space<semaphore_mem>>
        tpu.enqueue_indirect_dma source(%dma_start3A_588 : memref<80000x16xf32, #tpu.memory_space<hbm>>) target(%dma_start3A_582 : memref<128x16xf32, #tpu.memory_space<vmem>>) offsets(%dma_start3A_585 : memref<128xi32, #tpu.memory_space<vmem>>) semaphore(%dma_start3A_590 : memref<!tpu.dma_semaphore, #tpu.memory_space<semaphore_mem>>)
      } else {
      }
      %dma_wait3A_544 = arith.constant 0 : i32
      %dma_wait3A_545 = arith.constant 0 : i32
      %dma_wait3A_546 = arith.constant 0 : i32
      %dma_wait3A_547 = tpu.memref_slice %arg11[%rem3A_537, %dma_wait3A_545, %dma_wait3A_546] : memref<4x128x16xf32, #tpu.memory_space<vmem>> -> memref<1x128x16xf32, #tpu.memory_space<vmem>>
      %dma_wait3A_548 = tpu.memref_squeeze %dma_wait3A_547 : memref<1x128x16xf32, #tpu.memory_space<vmem>> -> memref<128x16xf32, #tpu.memory_space<vmem>>
      %dma_wait3A_549 = arith.constant 0 : i32
      %dma_wait3A_550 = tpu.memref_slice %arg9[%dma_wait3A_544, %dma_wait3A_549] : memref<157x128xi32, #tpu.memory_space<vmem>> -> memref<1x128xi32, #tpu.memory_space<vmem>>
      %dma_wait3A_551 = tpu.memref_squeeze %dma_wait3A_550 : memref<1x128xi32, #tpu.memory_space<vmem>> -> memref<128xi32, #tpu.memory_space<vmem>>
      %dma_wait3A_552 = arith.constant 0 : i32
      %dma_wait3A_553 = arith.constant 0 : i32
      %dma_wait3A_554 = tpu.memref_slice %arg2[%dma_wait3A_552, %dma_wait3A_553] : memref<80000x16xf32, #tpu.memory_space<hbm>> -> memref<80000x16xf32, #tpu.memory_space<hbm>>
      %dma_wait3A_555 = tpu.memref_slice %arg14[%rem3A_537] : memref<4x!tpu.dma_semaphore, #tpu.memory_space<semaphore_mem>> -> memref<1x!tpu.dma_semaphore, #tpu.memory_space<semaphore_mem>>
      %dma_wait3A_556 = tpu.memref_squeeze %dma_wait3A_555 : memref<1x!tpu.dma_semaphore, #tpu.memory_space<semaphore_mem>> -> memref<!tpu.dma_semaphore, #tpu.memory_space<semaphore_mem>>
      tpu.wait_indirect_dma semaphore(%dma_wait3A_556 : memref<!tpu.dma_semaphore, #tpu.memory_space<semaphore_mem>>) src(%dma_wait3A_554 : memref<80000x16xf32, #tpu.memory_space<hbm>>) dst(%dma_wait3A_548 : memref<128x16xf32, #tpu.memory_space<vmem>>)
      %dma_start3A_557 = arith.constant 0 : i32
      %dma_start3A_558 = arith.constant 0 : i32
      %dma_start3A_559 = tpu.memref_slice %arg11[%rem3A_537, %dma_start3A_557, %dma_start3A_558] : memref<4x128x16xf32, #tpu.memory_space<vmem>> -> memref<1x128x16xf32, #tpu.memory_space<vmem>>
      %dma_start3A_560 = tpu.memref_squeeze %dma_start3A_559 : memref<1x128x16xf32, #tpu.memory_space<vmem>> -> memref<128x16xf32, #tpu.memory_space<vmem>>
      %dma_start3A_561 = arith.constant 0 : i32
      %dma_start3A_562 = tpu.memref_slice %arg10[%scan3A_536, %dma_start3A_561] : memref<157x128xi32, #tpu.memory_space<vmem>> -> memref<1x128xi32, #tpu.memory_space<vmem>>
      %dma_start3A_563 = tpu.memref_squeeze %dma_start3A_562 : memref<1x128xi32, #tpu.memory_space<vmem>> -> memref<128xi32, #tpu.memory_space<vmem>>
      %dma_start3A_564 = arith.constant 0 : i32
      %dma_start3A_565 = arith.constant 0 : i32
      %dma_start3A_566 = tpu.memref_slice %arg13[%dma_start3A_564, %dma_start3A_565] : memref<10240x16xf32, #tpu.memory_space<vmem_shared>> -> memref<10240x16xf32, #tpu.memory_space<vmem_shared>>
      %dma_start3A_567 = tpu.memref_slice %arg15[%rem3A_537] : memref<4x!tpu.dma_semaphore, #tpu.memory_space<semaphore_mem>> -> memref<1x!tpu.dma_semaphore, #tpu.memory_space<semaphore_mem>>
      %dma_start3A_568 = tpu.memref_squeeze %dma_start3A_567 : memref<1x!tpu.dma_semaphore, #tpu.memory_space<semaphore_mem>> -> memref<!tpu.dma_semaphore, #tpu.memory_space<semaphore_mem>>
      tpu.enqueue_indirect_dma source(%dma_start3A_560 : memref<128x16xf32, #tpu.memory_space<vmem>>) target(%dma_start3A_566 : memref<10240x16xf32, #tpu.memory_space<vmem_shared>>) offsets(%dma_start3A_563 : memref<128xi32, #tpu.memory_space<vmem>>) semaphore(%dma_start3A_568 : memref<!tpu.dma_semaphore, #tpu.memory_space<semaphore_mem>>) {add = true}
    }
    %scan3A_58 = arith.constant 157 : i32
    %dma_wait3A = arith.constant 1 : i32
    %dma_wait3A_59 = arith.constant 0 : i32
    %dma_wait3A_60 = arith.constant 1 : i32
    %dma_wait3A_61 = arith.constant 0 : i32
    %dma_wait3A_62 = arith.constant 0 : i32
    %dma_wait3A_63 = tpu.memref_slice %arg11[%dma_wait3A, %dma_wait3A_61, %dma_wait3A_62] : memref<4x128x16xf32, #tpu.memory_space<vmem>> -> memref<1x128x16xf32, #tpu.memory_space<vmem>>
    %dma_wait3A_64 = tpu.memref_squeeze %dma_wait3A_63 : memref<1x128x16xf32, #tpu.memory_space<vmem>> -> memref<128x16xf32, #tpu.memory_space<vmem>>
    %dma_wait3A_65 = arith.constant 0 : i32
    %dma_wait3A_66 = tpu.memref_slice %arg10[%dma_wait3A_59, %dma_wait3A_65] : memref<157x128xi32, #tpu.memory_space<vmem>> -> memref<1x128xi32, #tpu.memory_space<vmem>>
    %dma_wait3A_67 = tpu.memref_squeeze %dma_wait3A_66 : memref<1x128xi32, #tpu.memory_space<vmem>> -> memref<128xi32, #tpu.memory_space<vmem>>
    %dma_wait3A_68 = arith.constant 0 : i32
    %dma_wait3A_69 = arith.constant 0 : i32
    %dma_wait3A_70 = tpu.memref_slice %arg13[%dma_wait3A_68, %dma_wait3A_69] : memref<10240x16xf32, #tpu.memory_space<vmem_shared>> -> memref<10240x16xf32, #tpu.memory_space<vmem_shared>>
    %dma_wait3A_71 = tpu.memref_slice %arg15[%dma_wait3A_60] : memref<4x!tpu.dma_semaphore, #tpu.memory_space<semaphore_mem>> -> memref<1x!tpu.dma_semaphore, #tpu.memory_space<semaphore_mem>>
    %dma_wait3A_72 = tpu.memref_squeeze %dma_wait3A_71 : memref<1x!tpu.dma_semaphore, #tpu.memory_space<semaphore_mem>> -> memref<!tpu.dma_semaphore, #tpu.memory_space<semaphore_mem>>
    tpu.wait_indirect_dma semaphore(%dma_wait3A_72 : memref<!tpu.dma_semaphore, #tpu.memory_space<semaphore_mem>>) src(%dma_wait3A_64 : memref<128x16xf32, #tpu.memory_space<vmem>>) dst(%dma_wait3A_70 : memref<10240x16xf32, #tpu.memory_space<vmem_shared>>)
    %dma_wait3A_73 = arith.constant 2 : i32
    %dma_wait3A_74 = arith.constant 0 : i32
    %dma_wait3A_75 = arith.constant 2 : i32
    %dma_wait3A_76 = arith.constant 0 : i32
    %dma_wait3A_77 = arith.constant 0 : i32
    %dma_wait3A_78 = tpu.memref_slice %arg11[%dma_wait3A_73, %dma_wait3A_76, %dma_wait3A_77] : memref<4x128x16xf32, #tpu.memory_space<vmem>> -> memref<1x128x16xf32, #tpu.memory_space<vmem>>
    %dma_wait3A_79 = tpu.memref_squeeze %dma_wait3A_78 : memref<1x128x16xf32, #tpu.memory_space<vmem>> -> memref<128x16xf32, #tpu.memory_space<vmem>>
    %dma_wait3A_80 = arith.constant 0 : i32
    %dma_wait3A_81 = tpu.memref_slice %arg10[%dma_wait3A_74, %dma_wait3A_80] : memref<157x128xi32, #tpu.memory_space<vmem>> -> memref<1x128xi32, #tpu.memory_space<vmem>>
    %dma_wait3A_82 = tpu.memref_squeeze %dma_wait3A_81 : memref<1x128xi32, #tpu.memory_space<vmem>> -> memref<128xi32, #tpu.memory_space<vmem>>
    %dma_wait3A_83 = arith.constant 0 : i32
    %dma_wait3A_84 = arith.constant 0 : i32
    %dma_wait3A_85 = tpu.memref_slice %arg13[%dma_wait3A_83, %dma_wait3A_84] : memref<10240x16xf32, #tpu.memory_space<vmem_shared>> -> memref<10240x16xf32, #tpu.memory_space<vmem_shared>>
    %dma_wait3A_86 = tpu.memref_slice %arg15[%dma_wait3A_75] : memref<4x!tpu.dma_semaphore, #tpu.memory_space<semaphore_mem>> -> memref<1x!tpu.dma_semaphore, #tpu.memory_space<semaphore_mem>>
    %dma_wait3A_87 = tpu.memref_squeeze %dma_wait3A_86 : memref<1x!tpu.dma_semaphore, #tpu.memory_space<semaphore_mem>> -> memref<!tpu.dma_semaphore, #tpu.memory_space<semaphore_mem>>
    tpu.wait_indirect_dma semaphore(%dma_wait3A_87 : memref<!tpu.dma_semaphore, #tpu.memory_space<semaphore_mem>>) src(%dma_wait3A_79 : memref<128x16xf32, #tpu.memory_space<vmem>>) dst(%dma_wait3A_85 : memref<10240x16xf32, #tpu.memory_space<vmem_shared>>)
    %dma_wait3A_88 = arith.constant 3 : i32
    %dma_wait3A_89 = arith.constant 0 : i32
    %dma_wait3A_90 = arith.constant 3 : i32
    %dma_wait3A_91 = arith.constant 0 : i32
    %dma_wait3A_92 = arith.constant 0 : i32
    %dma_wait3A_93 = tpu.memref_slice %arg11[%dma_wait3A_88, %dma_wait3A_91, %dma_wait3A_92] : memref<4x128x16xf32, #tpu.memory_space<vmem>> -> memref<1x128x16xf32, #tpu.memory_space<vmem>>
    %dma_wait3A_94 = tpu.memref_squeeze %dma_wait3A_93 : memref<1x128x16xf32, #tpu.memory_space<vmem>> -> memref<128x16xf32, #tpu.memory_space<vmem>>
    %dma_wait3A_95 = arith.constant 0 : i32
    %dma_wait3A_96 = tpu.memref_slice %arg10[%dma_wait3A_89, %dma_wait3A_95] : memref<157x128xi32, #tpu.memory_space<vmem>> -> memref<1x128xi32, #tpu.memory_space<vmem>>
    %dma_wait3A_97 = tpu.memref_squeeze %dma_wait3A_96 : memref<1x128xi32, #tpu.memory_space<vmem>> -> memref<128xi32, #tpu.memory_space<vmem>>
    %dma_wait3A_98 = arith.constant 0 : i32
    %dma_wait3A_99 = arith.constant 0 : i32
    %dma_wait3A_100 = tpu.memref_slice %arg13[%dma_wait3A_98, %dma_wait3A_99] : memref<10240x16xf32, #tpu.memory_space<vmem_shared>> -> memref<10240x16xf32, #tpu.memory_space<vmem_shared>>
    %dma_wait3A_101 = tpu.memref_slice %arg15[%dma_wait3A_90] : memref<4x!tpu.dma_semaphore, #tpu.memory_space<semaphore_mem>> -> memref<1x!tpu.dma_semaphore, #tpu.memory_space<semaphore_mem>>
    %dma_wait3A_102 = tpu.memref_squeeze %dma_wait3A_101 : memref<1x!tpu.dma_semaphore, #tpu.memory_space<semaphore_mem>> -> memref<!tpu.dma_semaphore, #tpu.memory_space<semaphore_mem>>
    tpu.wait_indirect_dma semaphore(%dma_wait3A_102 : memref<!tpu.dma_semaphore, #tpu.memory_space<semaphore_mem>>) src(%dma_wait3A_94 : memref<128x16xf32, #tpu.memory_space<vmem>>) dst(%dma_wait3A_100 : memref<10240x16xf32, #tpu.memory_space<vmem_shared>>)
    %dma_wait3A_103 = arith.constant 0 : i32
    %dma_wait3A_104 = arith.constant 0 : i32
    %dma_wait3A_105 = arith.constant 0 : i32
    %dma_wait3A_106 = arith.constant 0 : i32
    %dma_wait3A_107 = arith.constant 0 : i32
    %dma_wait3A_108 = tpu.memref_slice %arg11[%dma_wait3A_103, %dma_wait3A_106, %dma_wait3A_107] : memref<4x128x16xf32, #tpu.memory_space<vmem>> -> memref<1x128x16xf32, #tpu.memory_space<vmem>>
    %dma_wait3A_109 = tpu.memref_squeeze %dma_wait3A_108 : memref<1x128x16xf32, #tpu.memory_space<vmem>> -> memref<128x16xf32, #tpu.memory_space<vmem>>
    %dma_wait3A_110 = arith.constant 0 : i32
    %dma_wait3A_111 = tpu.memref_slice %arg10[%dma_wait3A_104, %dma_wait3A_110] : memref<157x128xi32, #tpu.memory_space<vmem>> -> memref<1x128xi32, #tpu.memory_space<vmem>>
    %dma_wait3A_112 = tpu.memref_squeeze %dma_wait3A_111 : memref<1x128xi32, #tpu.memory_space<vmem>> -> memref<128xi32, #tpu.memory_space<vmem>>
    %dma_wait3A_113 = arith.constant 0 : i32
    %dma_wait3A_114 = arith.constant 0 : i32
    %dma_wait3A_115 = tpu.memref_slice %arg13[%dma_wait3A_113, %dma_wait3A_114] : memref<10240x16xf32, #tpu.memory_space<vmem_shared>> -> memref<10240x16xf32, #tpu.memory_space<vmem_shared>>
    %dma_wait3A_116 = tpu.memref_slice %arg15[%dma_wait3A_105] : memref<4x!tpu.dma_semaphore, #tpu.memory_space<semaphore_mem>> -> memref<1x!tpu.dma_semaphore, #tpu.memory_space<semaphore_mem>>
    %dma_wait3A_117 = tpu.memref_squeeze %dma_wait3A_116 : memref<1x!tpu.dma_semaphore, #tpu.memory_space<semaphore_mem>> -> memref<!tpu.dma_semaphore, #tpu.memory_space<semaphore_mem>>
    tpu.wait_indirect_dma semaphore(%dma_wait3A_117 : memref<!tpu.dma_semaphore, #tpu.memory_space<semaphore_mem>>) src(%dma_wait3A_109 : memref<128x16xf32, #tpu.memory_space<vmem>>) dst(%dma_wait3A_115 : memref<10240x16xf32, #tpu.memory_space<vmem_shared>>)
    %barrier3A_118 = arith.constant 0 : index
    tpu.barrier barrier_id(%barrier3A_118)
    %add3A_119 = arith.constant 0 : i32
    %add3A_120 = arith.addi %multiple_of3A, %add3A_119 : i32
    %add3A_121 = arith.constant 0 : i32
    %add3A_122 = arith.addi %multiple_of3A, %add3A_121 : i32
    %mul3A_123 = arith.constant 16 : i32
    %mul3A_124 = arith.muli %add3A_5, %mul3A_123 : i32
    "tpu.region"() ({
      %run_scoped3A = tpu.sem_alloc : memref<!tpu.dma_semaphore, #tpu.memory_space<semaphore_mem>>
      %dma_start3A_536 = tpu.memref_slice %arg7[%add3A_122, %mul3A_124] : memref<10240x128xf32, #tpu.memory_space<hbm>> -> memref<320x16xf32, #tpu.memory_space<hbm>>
      %dma_start3A_537 = arith.constant 0 : i32
      %dma_start3A_538 = tpu.memref_slice %arg13[%add3A_120, %dma_start3A_537] : memref<10240x16xf32, #tpu.memory_space<vmem_shared>> -> memref<320x16xf32, #tpu.memory_space<vmem_shared>>
      tpu.enqueue_dma source(%dma_start3A_538 : memref<320x16xf32, #tpu.memory_space<vmem_shared>>) target(%dma_start3A_536 : memref<320x16xf32, #tpu.memory_space<hbm>>) target_semaphore(%run_scoped3A : memref<!tpu.dma_semaphore, #tpu.memory_space<semaphore_mem>>)
      %dma_wait3A_539 = tpu.memref_slice %arg7[%add3A_122, %mul3A_124] : memref<10240x128xf32, #tpu.memory_space<hbm>> -> memref<320x16xf32, #tpu.memory_space<hbm>>
      %dma_wait3A_540 = arith.constant 0 : i32
      %dma_wait3A_541 = tpu.memref_slice %arg13[%add3A_120, %dma_wait3A_540] : memref<10240x16xf32, #tpu.memory_space<vmem_shared>> -> memref<320x16xf32, #tpu.memory_space<vmem_shared>>
      tpu.wait_dma2 semaphore(%run_scoped3A : memref<!tpu.dma_semaphore, #tpu.memory_space<semaphore_mem>>) src(%dma_wait3A_541 : memref<320x16xf32, #tpu.memory_space<vmem_shared>>) dst(%dma_wait3A_539 : memref<320x16xf32, #tpu.memory_space<hbm>>)
      tpu.yield
    }) : () -> ()
    %add3A_125 = arith.constant 320 : i32
    %add3A_126 = arith.addi %multiple_of3A, %add3A_125 : i32
    %add3A_127 = arith.constant 320 : i32
    %add3A_128 = arith.addi %multiple_of3A, %add3A_127 : i32
    %mul3A_129 = arith.constant 16 : i32
    %mul3A_130 = arith.muli %add3A_5, %mul3A_129 : i32
    "tpu.region"() ({
      %run_scoped3A = tpu.sem_alloc : memref<!tpu.dma_semaphore, #tpu.memory_space<semaphore_mem>>
      %dma_start3A_536 = tpu.memref_slice %arg7[%add3A_128, %mul3A_130] : memref<10240x128xf32, #tpu.memory_space<hbm>> -> memref<320x16xf32, #tpu.memory_space<hbm>>
      %dma_start3A_537 = arith.constant 0 : i32
      %dma_start3A_538 = tpu.memref_slice %arg13[%add3A_126, %dma_start3A_537] : memref<10240x16xf32, #tpu.memory_space<vmem_shared>> -> memref<320x16xf32, #tpu.memory_space<vmem_shared>>
      tpu.enqueue_dma source(%dma_start3A_538 : memref<320x16xf32, #tpu.memory_space<vmem_shared>>) target(%dma_start3A_536 : memref<320x16xf32, #tpu.memory_space<hbm>>) target_semaphore(%run_scoped3A : memref<!tpu.dma_semaphore, #tpu.memory_space<semaphore_mem>>)
      %dma_wait3A_539 = tpu.memref_slice %arg7[%add3A_128, %mul3A_130] : memref<10240x128xf32, #tpu.memory_space<hbm>> -> memref<320x16xf32, #tpu.memory_space<hbm>>
      %dma_wait3A_540 = arith.constant 0 : i32
      %dma_wait3A_541 = tpu.memref_slice %arg13[%add3A_126, %dma_wait3A_540] : memref<10240x16xf32, #tpu.memory_space<vmem_shared>> -> memref<320x16xf32, #tpu.memory_space<vmem_shared>>
      tpu.wait_dma2 semaphore(%run_scoped3A : memref<!tpu.dma_semaphore, #tpu.memory_space<semaphore_mem>>) src(%dma_wait3A_541 : memref<320x16xf32, #tpu.memory_space<vmem_shared>>) dst(%dma_wait3A_539 : memref<320x16xf32, #tpu.memory_space<hbm>>)
      tpu.yield
    }) : () -> ()
    %barrier3A_131 = arith.constant 0 : index
    tpu.barrier barrier_id(%barrier3A_131)
    %mul3A_132 = arith.constant 4 : i32
    %mul3A_133 = arith.muli %arg0, %mul3A_132 : i32
    %add3A_134 = arith.constant 1 : i32
    %add3A_135 = arith.addi %mul3A_133, %add3A_134 : i32
    %add3A_136 = arith.constant 0 : i32
    %add3A_137 = arith.addi %multiple_of3A, %add3A_136 : i32
    "tpu.region"() ({
      %run_scoped3A = tpu.sem_alloc : memref<!tpu.dma_semaphore, #tpu.memory_space<semaphore_mem>>
      %dma_start3A_536 = arith.constant 0 : i32
      %dma_start3A_537 = tpu.memref_slice %arg13[%add3A_137, %dma_start3A_536] : memref<10240x16xf32, #tpu.memory_space<vmem_shared>> -> memref<320x16xf32, #tpu.memory_space<vmem_shared>>
      tpu.enqueue_dma source(%arg5 : memref<320x16xf32, #tpu.memory_space<hbm>>) target(%dma_start3A_537 : memref<320x16xf32, #tpu.memory_space<vmem_shared>>) target_semaphore(%run_scoped3A : memref<!tpu.dma_semaphore, #tpu.memory_space<semaphore_mem>>)
      %dma_wait3A_538 = arith.constant 0 : i32
      %dma_wait3A_539 = tpu.memref_slice %arg13[%add3A_137, %dma_wait3A_538] : memref<10240x16xf32, #tpu.memory_space<vmem_shared>> -> memref<320x16xf32, #tpu.memory_space<vmem_shared>>
      tpu.wait_dma2 semaphore(%run_scoped3A : memref<!tpu.dma_semaphore, #tpu.memory_space<semaphore_mem>>) src(%arg5 : memref<320x16xf32, #tpu.memory_space<hbm>>) dst(%dma_wait3A_539 : memref<320x16xf32, #tpu.memory_space<vmem_shared>>)
      tpu.yield
    }) : () -> ()
    %add3A_138 = arith.constant 320 : i32
    %add3A_139 = arith.addi %multiple_of3A, %add3A_138 : i32
    "tpu.region"() ({
      %run_scoped3A = tpu.sem_alloc : memref<!tpu.dma_semaphore, #tpu.memory_space<semaphore_mem>>
      %dma_start3A_536 = arith.constant 0 : i32
      %dma_start3A_537 = tpu.memref_slice %arg13[%add3A_139, %dma_start3A_536] : memref<10240x16xf32, #tpu.memory_space<vmem_shared>> -> memref<320x16xf32, #tpu.memory_space<vmem_shared>>
      tpu.enqueue_dma source(%arg5 : memref<320x16xf32, #tpu.memory_space<hbm>>) target(%dma_start3A_537 : memref<320x16xf32, #tpu.memory_space<vmem_shared>>) target_semaphore(%run_scoped3A : memref<!tpu.dma_semaphore, #tpu.memory_space<semaphore_mem>>)
      %dma_wait3A_538 = arith.constant 0 : i32
      %dma_wait3A_539 = tpu.memref_slice %arg13[%add3A_139, %dma_wait3A_538] : memref<10240x16xf32, #tpu.memory_space<vmem_shared>> -> memref<320x16xf32, #tpu.memory_space<vmem_shared>>
      tpu.wait_dma2 semaphore(%run_scoped3A : memref<!tpu.dma_semaphore, #tpu.memory_space<semaphore_mem>>) src(%arg5 : memref<320x16xf32, #tpu.memory_space<hbm>>) dst(%dma_wait3A_539 : memref<320x16xf32, #tpu.memory_space<vmem_shared>>)
      tpu.yield
    }) : () -> ()
    "tpu.region"() ({
      %run_scoped3A = tpu.sem_alloc : memref<!tpu.dma_semaphore, #tpu.memory_space<semaphore_mem>>
      %dma_start3A_536 = arith.constant 0 : i32
      %dma_start3A_537 = tpu.memref_slice %arg3[%add3A_135, %mul3A_2, %dma_start3A_536] : memref<8x2512x128xi32, #tpu.memory_space<hbm>> -> memref<1x157x128xi32, #tpu.memory_space<hbm>>
      %dma_start3A_538 = tpu.memref_squeeze %dma_start3A_537 : memref<1x157x128xi32, #tpu.memory_space<hbm>> -> memref<157x128xi32, #tpu.memory_space<hbm>>
      %dma_start3A_539 = arith.constant 0 : i32
      %dma_start3A_540 = tpu.memref_slice %arg3[%add3A_135, %mul3A_2, %dma_start3A_539] : memref<8x2512x128xi32, #tpu.memory_space<hbm>> -> memref<1x157x128xi32, #tpu.memory_space<hbm>>
      %dma_start3A_541 = tpu.memref_squeeze %dma_start3A_540 : memref<1x157x128xi32, #tpu.memory_space<hbm>> -> memref<157x128xi32, #tpu.memory_space<hbm>>
      tpu.enqueue_dma source(%dma_start3A_541 : memref<157x128xi32, #tpu.memory_space<hbm>>) target(%arg9 : memref<157x128xi32, #tpu.memory_space<vmem>>) target_semaphore(%run_scoped3A : memref<!tpu.dma_semaphore, #tpu.memory_space<semaphore_mem>>)
      %dma_wait3A_542 = arith.constant 0 : i32
      %dma_wait3A_543 = tpu.memref_slice %arg3[%add3A_135, %mul3A_2, %dma_wait3A_542] : memref<8x2512x128xi32, #tpu.memory_space<hbm>> -> memref<1x157x128xi32, #tpu.memory_space<hbm>>
      %dma_wait3A_544 = tpu.memref_squeeze %dma_wait3A_543 : memref<1x157x128xi32, #tpu.memory_space<hbm>> -> memref<157x128xi32, #tpu.memory_space<hbm>>
      %dma_wait3A_545 = arith.constant 0 : i32
      %dma_wait3A_546 = tpu.memref_slice %arg3[%add3A_135, %mul3A_2, %dma_wait3A_545] : memref<8x2512x128xi32, #tpu.memory_space<hbm>> -> memref<1x157x128xi32, #tpu.memory_space<hbm>>
      %dma_wait3A_547 = tpu.memref_squeeze %dma_wait3A_546 : memref<1x157x128xi32, #tpu.memory_space<hbm>> -> memref<157x128xi32, #tpu.memory_space<hbm>>
      tpu.wait_dma2 semaphore(%run_scoped3A : memref<!tpu.dma_semaphore, #tpu.memory_space<semaphore_mem>>) src(%dma_wait3A_547 : memref<157x128xi32, #tpu.memory_space<hbm>>) dst(%arg9 : memref<157x128xi32, #tpu.memory_space<vmem>>)
      tpu.yield
    }) : () -> ()
    %barrier3A_140 = arith.constant 0 : index
    tpu.barrier barrier_id(%barrier3A_140)
    %dma_start3A_141 = arith.constant 0 : i32
    %dma_start3A_142 = arith.constant 0 : i32
    %dma_start3A_143 = arith.constant 0 : i32
    %dma_start3A_144 = arith.constant 0 : i32
    %dma_start3A_145 = arith.constant 0 : i32
    %dma_start3A_146 = tpu.memref_slice %arg11[%dma_start3A_142, %dma_start3A_144, %dma_start3A_145] : memref<4x128x16xf32, #tpu.memory_space<vmem>> -> memref<1x128x16xf32, #tpu.memory_space<vmem>>
    %dma_start3A_147 = tpu.memref_squeeze %dma_start3A_146 : memref<1x128x16xf32, #tpu.memory_space<vmem>> -> memref<128x16xf32, #tpu.memory_space<vmem>>
    %dma_start3A_148 = arith.constant 0 : i32
    %dma_start3A_149 = tpu.memref_slice %arg9[%dma_start3A_141, %dma_start3A_148] : memref<157x128xi32, #tpu.memory_space<vmem>> -> memref<1x128xi32, #tpu.memory_space<vmem>>
    %dma_start3A_150 = tpu.memref_squeeze %dma_start3A_149 : memref<1x128xi32, #tpu.memory_space<vmem>> -> memref<128xi32, #tpu.memory_space<vmem>>
    %dma_start3A_151 = arith.constant 0 : i32
    %dma_start3A_152 = arith.constant 0 : i32
    %dma_start3A_153 = tpu.memref_slice %arg2[%dma_start3A_151, %dma_start3A_152] : memref<80000x16xf32, #tpu.memory_space<hbm>> -> memref<80000x16xf32, #tpu.memory_space<hbm>>
    %dma_start3A_154 = tpu.memref_slice %arg14[%dma_start3A_143] : memref<4x!tpu.dma_semaphore, #tpu.memory_space<semaphore_mem>> -> memref<1x!tpu.dma_semaphore, #tpu.memory_space<semaphore_mem>>
    %dma_start3A_155 = tpu.memref_squeeze %dma_start3A_154 : memref<1x!tpu.dma_semaphore, #tpu.memory_space<semaphore_mem>> -> memref<!tpu.dma_semaphore, #tpu.memory_space<semaphore_mem>>
    tpu.enqueue_indirect_dma source(%dma_start3A_153 : memref<80000x16xf32, #tpu.memory_space<hbm>>) target(%dma_start3A_147 : memref<128x16xf32, #tpu.memory_space<vmem>>) offsets(%dma_start3A_150 : memref<128xi32, #tpu.memory_space<vmem>>) semaphore(%dma_start3A_155 : memref<!tpu.dma_semaphore, #tpu.memory_space<semaphore_mem>>)
    %dma_start3A_156 = arith.constant 1 : i32
    %dma_start3A_157 = arith.constant 1 : i32
    %dma_start3A_158 = arith.constant 1 : i32
    %dma_start3A_159 = arith.constant 0 : i32
    %dma_start3A_160 = arith.constant 0 : i32
    %dma_start3A_161 = tpu.memref_slice %arg11[%dma_start3A_157, %dma_start3A_159, %dma_start3A_160] : memref<4x128x16xf32, #tpu.memory_space<vmem>> -> memref<1x128x16xf32, #tpu.memory_space<vmem>>
    %dma_start3A_162 = tpu.memref_squeeze %dma_start3A_161 : memref<1x128x16xf32, #tpu.memory_space<vmem>> -> memref<128x16xf32, #tpu.memory_space<vmem>>
    %dma_start3A_163 = arith.constant 0 : i32
    %dma_start3A_164 = tpu.memref_slice %arg9[%dma_start3A_156, %dma_start3A_163] : memref<157x128xi32, #tpu.memory_space<vmem>> -> memref<1x128xi32, #tpu.memory_space<vmem>>
    %dma_start3A_165 = tpu.memref_squeeze %dma_start3A_164 : memref<1x128xi32, #tpu.memory_space<vmem>> -> memref<128xi32, #tpu.memory_space<vmem>>
    %dma_start3A_166 = arith.constant 0 : i32
    %dma_start3A_167 = arith.constant 0 : i32
    %dma_start3A_168 = tpu.memref_slice %arg2[%dma_start3A_166, %dma_start3A_167] : memref<80000x16xf32, #tpu.memory_space<hbm>> -> memref<80000x16xf32, #tpu.memory_space<hbm>>
    %dma_start3A_169 = tpu.memref_slice %arg14[%dma_start3A_158] : memref<4x!tpu.dma_semaphore, #tpu.memory_space<semaphore_mem>> -> memref<1x!tpu.dma_semaphore, #tpu.memory_space<semaphore_mem>>
    %dma_start3A_170 = tpu.memref_squeeze %dma_start3A_169 : memref<1x!tpu.dma_semaphore, #tpu.memory_space<semaphore_mem>> -> memref<!tpu.dma_semaphore, #tpu.memory_space<semaphore_mem>>
    tpu.enqueue_indirect_dma source(%dma_start3A_168 : memref<80000x16xf32, #tpu.memory_space<hbm>>) target(%dma_start3A_162 : memref<128x16xf32, #tpu.memory_space<vmem>>) offsets(%dma_start3A_165 : memref<128xi32, #tpu.memory_space<vmem>>) semaphore(%dma_start3A_170 : memref<!tpu.dma_semaphore, #tpu.memory_space<semaphore_mem>>)
    %dma_start3A_171 = arith.constant 2 : i32
    %dma_start3A_172 = arith.constant 2 : i32
    %dma_start3A_173 = arith.constant 2 : i32
    %dma_start3A_174 = arith.constant 0 : i32
    %dma_start3A_175 = arith.constant 0 : i32
    %dma_start3A_176 = tpu.memref_slice %arg11[%dma_start3A_172, %dma_start3A_174, %dma_start3A_175] : memref<4x128x16xf32, #tpu.memory_space<vmem>> -> memref<1x128x16xf32, #tpu.memory_space<vmem>>
    %dma_start3A_177 = tpu.memref_squeeze %dma_start3A_176 : memref<1x128x16xf32, #tpu.memory_space<vmem>> -> memref<128x16xf32, #tpu.memory_space<vmem>>
    %dma_start3A_178 = arith.constant 0 : i32
    %dma_start3A_179 = tpu.memref_slice %arg9[%dma_start3A_171, %dma_start3A_178] : memref<157x128xi32, #tpu.memory_space<vmem>> -> memref<1x128xi32, #tpu.memory_space<vmem>>
    %dma_start3A_180 = tpu.memref_squeeze %dma_start3A_179 : memref<1x128xi32, #tpu.memory_space<vmem>> -> memref<128xi32, #tpu.memory_space<vmem>>
    %dma_start3A_181 = arith.constant 0 : i32
    %dma_start3A_182 = arith.constant 0 : i32
    %dma_start3A_183 = tpu.memref_slice %arg2[%dma_start3A_181, %dma_start3A_182] : memref<80000x16xf32, #tpu.memory_space<hbm>> -> memref<80000x16xf32, #tpu.memory_space<hbm>>
    %dma_start3A_184 = tpu.memref_slice %arg14[%dma_start3A_173] : memref<4x!tpu.dma_semaphore, #tpu.memory_space<semaphore_mem>> -> memref<1x!tpu.dma_semaphore, #tpu.memory_space<semaphore_mem>>
    %dma_start3A_185 = tpu.memref_squeeze %dma_start3A_184 : memref<1x!tpu.dma_semaphore, #tpu.memory_space<semaphore_mem>> -> memref<!tpu.dma_semaphore, #tpu.memory_space<semaphore_mem>>
    tpu.enqueue_indirect_dma source(%dma_start3A_183 : memref<80000x16xf32, #tpu.memory_space<hbm>>) target(%dma_start3A_177 : memref<128x16xf32, #tpu.memory_space<vmem>>) offsets(%dma_start3A_180 : memref<128xi32, #tpu.memory_space<vmem>>) semaphore(%dma_start3A_185 : memref<!tpu.dma_semaphore, #tpu.memory_space<semaphore_mem>>)
    %scan3A_186 = arith.constant 0 : i32
    %scan3A_187 = arith.constant 0 : i32
    %scan3A_188 = arith.constant 157 : i32
    %scan3A_189 = arith.addi %scan3A_187, %scan3A_188 : i32
    %scan3A_190 = arith.constant 1 : i32
    scf.for %scan3A_536 = %scan3A_187 to %scan3A_189 step %scan3A_190  : i32 {
      %rem3A = arith.constant 4 : i32
      %rem3A_537 = arith.remsi %scan3A_536, %rem3A : i32
      %add3A_538 = arith.constant 3 : i32
      %add3A_539 = arith.addi %scan3A_536, %add3A_538 : i32
      %lt3A = arith.constant 157 : i32
      %lt3A_540 = arith.cmpi slt, %add3A_539, %lt3A : i32
      %convert_element_type3A_541 = arith.extui %lt3A_540 : i1 to i32
      %cond3A_542 = arith.constant 0 : i32
      %cond3A_543 = arith.cmpi ne, %convert_element_type3A_541, %cond3A_542 : i32
      scf.if %cond3A_543 {
        %add3A_569 = arith.constant 3 : i32
        %add3A_570 = arith.addi %scan3A_536, %add3A_569 : i32
        %rem3A_571 = arith.constant 4 : i32
        %rem3A_572 = arith.remsi %add3A_570, %rem3A_571 : i32
        %ge3A = arith.constant 1 : i32
        %ge3A_573 = arith.cmpi sge, %scan3A_536, %ge3A : i32
        %convert_element_type3A_574 = arith.extui %ge3A_573 : i1 to i32
        %cond3A_575 = arith.constant 0 : i32
        %cond3A_576 = arith.cmpi ne, %convert_element_type3A_574, %cond3A_575 : i32
        scf.if %cond3A_576 {
          %dma_wait3A_591 = arith.constant 0 : i32
          %dma_wait3A_592 = arith.constant 0 : i32
          %dma_wait3A_593 = arith.constant 0 : i32
          %dma_wait3A_594 = tpu.memref_slice %arg11[%rem3A_572, %dma_wait3A_592, %dma_wait3A_593] : memref<4x128x16xf32, #tpu.memory_space<vmem>> -> memref<1x128x16xf32, #tpu.memory_space<vmem>>
          %dma_wait3A_595 = tpu.memref_squeeze %dma_wait3A_594 : memref<1x128x16xf32, #tpu.memory_space<vmem>> -> memref<128x16xf32, #tpu.memory_space<vmem>>
          %dma_wait3A_596 = arith.constant 0 : i32
          %dma_wait3A_597 = tpu.memref_slice %arg10[%dma_wait3A_591, %dma_wait3A_596] : memref<157x128xi32, #tpu.memory_space<vmem>> -> memref<1x128xi32, #tpu.memory_space<vmem>>
          %dma_wait3A_598 = tpu.memref_squeeze %dma_wait3A_597 : memref<1x128xi32, #tpu.memory_space<vmem>> -> memref<128xi32, #tpu.memory_space<vmem>>
          %dma_wait3A_599 = arith.constant 0 : i32
          %dma_wait3A_600 = arith.constant 0 : i32
          %dma_wait3A_601 = tpu.memref_slice %arg13[%dma_wait3A_599, %dma_wait3A_600] : memref<10240x16xf32, #tpu.memory_space<vmem_shared>> -> memref<10240x16xf32, #tpu.memory_space<vmem_shared>>
          %dma_wait3A_602 = tpu.memref_slice %arg15[%rem3A_572] : memref<4x!tpu.dma_semaphore, #tpu.memory_space<semaphore_mem>> -> memref<1x!tpu.dma_semaphore, #tpu.memory_space<semaphore_mem>>
          %dma_wait3A_603 = tpu.memref_squeeze %dma_wait3A_602 : memref<1x!tpu.dma_semaphore, #tpu.memory_space<semaphore_mem>> -> memref<!tpu.dma_semaphore, #tpu.memory_space<semaphore_mem>>
          tpu.wait_indirect_dma semaphore(%dma_wait3A_603 : memref<!tpu.dma_semaphore, #tpu.memory_space<semaphore_mem>>) src(%dma_wait3A_595 : memref<128x16xf32, #tpu.memory_space<vmem>>) dst(%dma_wait3A_601 : memref<10240x16xf32, #tpu.memory_space<vmem_shared>>)
        } else {
        }
        %add3A_577 = arith.constant 3 : i32
        %add3A_578 = arith.addi %scan3A_536, %add3A_577 : i32
        %dma_start3A_579 = arith.constant 0 : i32
        %dma_start3A_580 = arith.constant 0 : i32
        %dma_start3A_581 = tpu.memref_slice %arg11[%rem3A_572, %dma_start3A_579, %dma_start3A_580] : memref<4x128x16xf32, #tpu.memory_space<vmem>> -> memref<1x128x16xf32, #tpu.memory_space<vmem>>
        %dma_start3A_582 = tpu.memref_squeeze %dma_start3A_581 : memref<1x128x16xf32, #tpu.memory_space<vmem>> -> memref<128x16xf32, #tpu.memory_space<vmem>>
        %dma_start3A_583 = arith.constant 0 : i32
        %dma_start3A_584 = tpu.memref_slice %arg9[%add3A_578, %dma_start3A_583] : memref<157x128xi32, #tpu.memory_space<vmem>> -> memref<1x128xi32, #tpu.memory_space<vmem>>
        %dma_start3A_585 = tpu.memref_squeeze %dma_start3A_584 : memref<1x128xi32, #tpu.memory_space<vmem>> -> memref<128xi32, #tpu.memory_space<vmem>>
        %dma_start3A_586 = arith.constant 0 : i32
        %dma_start3A_587 = arith.constant 0 : i32
        %dma_start3A_588 = tpu.memref_slice %arg2[%dma_start3A_586, %dma_start3A_587] : memref<80000x16xf32, #tpu.memory_space<hbm>> -> memref<80000x16xf32, #tpu.memory_space<hbm>>
        %dma_start3A_589 = tpu.memref_slice %arg14[%rem3A_572] : memref<4x!tpu.dma_semaphore, #tpu.memory_space<semaphore_mem>> -> memref<1x!tpu.dma_semaphore, #tpu.memory_space<semaphore_mem>>
        %dma_start3A_590 = tpu.memref_squeeze %dma_start3A_589 : memref<1x!tpu.dma_semaphore, #tpu.memory_space<semaphore_mem>> -> memref<!tpu.dma_semaphore, #tpu.memory_space<semaphore_mem>>
        tpu.enqueue_indirect_dma source(%dma_start3A_588 : memref<80000x16xf32, #tpu.memory_space<hbm>>) target(%dma_start3A_582 : memref<128x16xf32, #tpu.memory_space<vmem>>) offsets(%dma_start3A_585 : memref<128xi32, #tpu.memory_space<vmem>>) semaphore(%dma_start3A_590 : memref<!tpu.dma_semaphore, #tpu.memory_space<semaphore_mem>>)
      } else {
      }
      %dma_wait3A_544 = arith.constant 0 : i32
      %dma_wait3A_545 = arith.constant 0 : i32
      %dma_wait3A_546 = arith.constant 0 : i32
      %dma_wait3A_547 = tpu.memref_slice %arg11[%rem3A_537, %dma_wait3A_545, %dma_wait3A_546] : memref<4x128x16xf32, #tpu.memory_space<vmem>> -> memref<1x128x16xf32, #tpu.memory_space<vmem>>
      %dma_wait3A_548 = tpu.memref_squeeze %dma_wait3A_547 : memref<1x128x16xf32, #tpu.memory_space<vmem>> -> memref<128x16xf32, #tpu.memory_space<vmem>>
      %dma_wait3A_549 = arith.constant 0 : i32
      %dma_wait3A_550 = tpu.memref_slice %arg9[%dma_wait3A_544, %dma_wait3A_549] : memref<157x128xi32, #tpu.memory_space<vmem>> -> memref<1x128xi32, #tpu.memory_space<vmem>>
      %dma_wait3A_551 = tpu.memref_squeeze %dma_wait3A_550 : memref<1x128xi32, #tpu.memory_space<vmem>> -> memref<128xi32, #tpu.memory_space<vmem>>
      %dma_wait3A_552 = arith.constant 0 : i32
      %dma_wait3A_553 = arith.constant 0 : i32
      %dma_wait3A_554 = tpu.memref_slice %arg2[%dma_wait3A_552, %dma_wait3A_553] : memref<80000x16xf32, #tpu.memory_space<hbm>> -> memref<80000x16xf32, #tpu.memory_space<hbm>>
      %dma_wait3A_555 = tpu.memref_slice %arg14[%rem3A_537] : memref<4x!tpu.dma_semaphore, #tpu.memory_space<semaphore_mem>> -> memref<1x!tpu.dma_semaphore, #tpu.memory_space<semaphore_mem>>
      %dma_wait3A_556 = tpu.memref_squeeze %dma_wait3A_555 : memref<1x!tpu.dma_semaphore, #tpu.memory_space<semaphore_mem>> -> memref<!tpu.dma_semaphore, #tpu.memory_space<semaphore_mem>>
      tpu.wait_indirect_dma semaphore(%dma_wait3A_556 : memref<!tpu.dma_semaphore, #tpu.memory_space<semaphore_mem>>) src(%dma_wait3A_554 : memref<80000x16xf32, #tpu.memory_space<hbm>>) dst(%dma_wait3A_548 : memref<128x16xf32, #tpu.memory_space<vmem>>)
      %dma_start3A_557 = arith.constant 0 : i32
      %dma_start3A_558 = arith.constant 0 : i32
      %dma_start3A_559 = tpu.memref_slice %arg11[%rem3A_537, %dma_start3A_557, %dma_start3A_558] : memref<4x128x16xf32, #tpu.memory_space<vmem>> -> memref<1x128x16xf32, #tpu.memory_space<vmem>>
      %dma_start3A_560 = tpu.memref_squeeze %dma_start3A_559 : memref<1x128x16xf32, #tpu.memory_space<vmem>> -> memref<128x16xf32, #tpu.memory_space<vmem>>
      %dma_start3A_561 = arith.constant 0 : i32
      %dma_start3A_562 = tpu.memref_slice %arg10[%scan3A_536, %dma_start3A_561] : memref<157x128xi32, #tpu.memory_space<vmem>> -> memref<1x128xi32, #tpu.memory_space<vmem>>
      %dma_start3A_563 = tpu.memref_squeeze %dma_start3A_562 : memref<1x128xi32, #tpu.memory_space<vmem>> -> memref<128xi32, #tpu.memory_space<vmem>>
      %dma_start3A_564 = arith.constant 0 : i32
      %dma_start3A_565 = arith.constant 0 : i32
      %dma_start3A_566 = tpu.memref_slice %arg13[%dma_start3A_564, %dma_start3A_565] : memref<10240x16xf32, #tpu.memory_space<vmem_shared>> -> memref<10240x16xf32, #tpu.memory_space<vmem_shared>>
      %dma_start3A_567 = tpu.memref_slice %arg15[%rem3A_537] : memref<4x!tpu.dma_semaphore, #tpu.memory_space<semaphore_mem>> -> memref<1x!tpu.dma_semaphore, #tpu.memory_space<semaphore_mem>>
      %dma_start3A_568 = tpu.memref_squeeze %dma_start3A_567 : memref<1x!tpu.dma_semaphore, #tpu.memory_space<semaphore_mem>> -> memref<!tpu.dma_semaphore, #tpu.memory_space<semaphore_mem>>
      tpu.enqueue_indirect_dma source(%dma_start3A_560 : memref<128x16xf32, #tpu.memory_space<vmem>>) target(%dma_start3A_566 : memref<10240x16xf32, #tpu.memory_space<vmem_shared>>) offsets(%dma_start3A_563 : memref<128xi32, #tpu.memory_space<vmem>>) semaphore(%dma_start3A_568 : memref<!tpu.dma_semaphore, #tpu.memory_space<semaphore_mem>>) {add = true}
    }
    %scan3A_191 = arith.constant 157 : i32
    %dma_wait3A_192 = arith.constant 1 : i32
    %dma_wait3A_193 = arith.constant 0 : i32
    %dma_wait3A_194 = arith.constant 1 : i32
    %dma_wait3A_195 = arith.constant 0 : i32
    %dma_wait3A_196 = arith.constant 0 : i32
    %dma_wait3A_197 = tpu.memref_slice %arg11[%dma_wait3A_192, %dma_wait3A_195, %dma_wait3A_196] : memref<4x128x16xf32, #tpu.memory_space<vmem>> -> memref<1x128x16xf32, #tpu.memory_space<vmem>>
    %dma_wait3A_198 = tpu.memref_squeeze %dma_wait3A_197 : memref<1x128x16xf32, #tpu.memory_space<vmem>> -> memref<128x16xf32, #tpu.memory_space<vmem>>
    %dma_wait3A_199 = arith.constant 0 : i32
    %dma_wait3A_200 = tpu.memref_slice %arg10[%dma_wait3A_193, %dma_wait3A_199] : memref<157x128xi32, #tpu.memory_space<vmem>> -> memref<1x128xi32, #tpu.memory_space<vmem>>
    %dma_wait3A_201 = tpu.memref_squeeze %dma_wait3A_200 : memref<1x128xi32, #tpu.memory_space<vmem>> -> memref<128xi32, #tpu.memory_space<vmem>>
    %dma_wait3A_202 = arith.constant 0 : i32
    %dma_wait3A_203 = arith.constant 0 : i32
    %dma_wait3A_204 = tpu.memref_slice %arg13[%dma_wait3A_202, %dma_wait3A_203] : memref<10240x16xf32, #tpu.memory_space<vmem_shared>> -> memref<10240x16xf32, #tpu.memory_space<vmem_shared>>
    %dma_wait3A_205 = tpu.memref_slice %arg15[%dma_wait3A_194] : memref<4x!tpu.dma_semaphore, #tpu.memory_space<semaphore_mem>> -> memref<1x!tpu.dma_semaphore, #tpu.memory_space<semaphore_mem>>
    %dma_wait3A_206 = tpu.memref_squeeze %dma_wait3A_205 : memref<1x!tpu.dma_semaphore, #tpu.memory_space<semaphore_mem>> -> memref<!tpu.dma_semaphore, #tpu.memory_space<semaphore_mem>>
    tpu.wait_indirect_dma semaphore(%dma_wait3A_206 : memref<!tpu.dma_semaphore, #tpu.memory_space<semaphore_mem>>) src(%dma_wait3A_198 : memref<128x16xf32, #tpu.memory_space<vmem>>) dst(%dma_wait3A_204 : memref<10240x16xf32, #tpu.memory_space<vmem_shared>>)
    %dma_wait3A_207 = arith.constant 2 : i32
    %dma_wait3A_208 = arith.constant 0 : i32
    %dma_wait3A_209 = arith.constant 2 : i32
    %dma_wait3A_210 = arith.constant 0 : i32
    %dma_wait3A_211 = arith.constant 0 : i32
    %dma_wait3A_212 = tpu.memref_slice %arg11[%dma_wait3A_207, %dma_wait3A_210, %dma_wait3A_211] : memref<4x128x16xf32, #tpu.memory_space<vmem>> -> memref<1x128x16xf32, #tpu.memory_space<vmem>>
    %dma_wait3A_213 = tpu.memref_squeeze %dma_wait3A_212 : memref<1x128x16xf32, #tpu.memory_space<vmem>> -> memref<128x16xf32, #tpu.memory_space<vmem>>
    %dma_wait3A_214 = arith.constant 0 : i32
    %dma_wait3A_215 = tpu.memref_slice %arg10[%dma_wait3A_208, %dma_wait3A_214] : memref<157x128xi32, #tpu.memory_space<vmem>> -> memref<1x128xi32, #tpu.memory_space<vmem>>
    %dma_wait3A_216 = tpu.memref_squeeze %dma_wait3A_215 : memref<1x128xi32, #tpu.memory_space<vmem>> -> memref<128xi32, #tpu.memory_space<vmem>>
    %dma_wait3A_217 = arith.constant 0 : i32
    %dma_wait3A_218 = arith.constant 0 : i32
    %dma_wait3A_219 = tpu.memref_slice %arg13[%dma_wait3A_217, %dma_wait3A_218] : memref<10240x16xf32, #tpu.memory_space<vmem_shared>> -> memref<10240x16xf32, #tpu.memory_space<vmem_shared>>
    %dma_wait3A_220 = tpu.memref_slice %arg15[%dma_wait3A_209] : memref<4x!tpu.dma_semaphore, #tpu.memory_space<semaphore_mem>> -> memref<1x!tpu.dma_semaphore, #tpu.memory_space<semaphore_mem>>
    %dma_wait3A_221 = tpu.memref_squeeze %dma_wait3A_220 : memref<1x!tpu.dma_semaphore, #tpu.memory_space<semaphore_mem>> -> memref<!tpu.dma_semaphore, #tpu.memory_space<semaphore_mem>>
    tpu.wait_indirect_dma semaphore(%dma_wait3A_221 : memref<!tpu.dma_semaphore, #tpu.memory_space<semaphore_mem>>) src(%dma_wait3A_213 : memref<128x16xf32, #tpu.memory_space<vmem>>) dst(%dma_wait3A_219 : memref<10240x16xf32, #tpu.memory_space<vmem_shared>>)
    %dma_wait3A_222 = arith.constant 3 : i32
    %dma_wait3A_223 = arith.constant 0 : i32
    %dma_wait3A_224 = arith.constant 3 : i32
    %dma_wait3A_225 = arith.constant 0 : i32
    %dma_wait3A_226 = arith.constant 0 : i32
    %dma_wait3A_227 = tpu.memref_slice %arg11[%dma_wait3A_222, %dma_wait3A_225, %dma_wait3A_226] : memref<4x128x16xf32, #tpu.memory_space<vmem>> -> memref<1x128x16xf32, #tpu.memory_space<vmem>>
    %dma_wait3A_228 = tpu.memref_squeeze %dma_wait3A_227 : memref<1x128x16xf32, #tpu.memory_space<vmem>> -> memref<128x16xf32, #tpu.memory_space<vmem>>
    %dma_wait3A_229 = arith.constant 0 : i32
    %dma_wait3A_230 = tpu.memref_slice %arg10[%dma_wait3A_223, %dma_wait3A_229] : memref<157x128xi32, #tpu.memory_space<vmem>> -> memref<1x128xi32, #tpu.memory_space<vmem>>
    %dma_wait3A_231 = tpu.memref_squeeze %dma_wait3A_230 : memref<1x128xi32, #tpu.memory_space<vmem>> -> memref<128xi32, #tpu.memory_space<vmem>>
    %dma_wait3A_232 = arith.constant 0 : i32
    %dma_wait3A_233 = arith.constant 0 : i32
    %dma_wait3A_234 = tpu.memref_slice %arg13[%dma_wait3A_232, %dma_wait3A_233] : memref<10240x16xf32, #tpu.memory_space<vmem_shared>> -> memref<10240x16xf32, #tpu.memory_space<vmem_shared>>
    %dma_wait3A_235 = tpu.memref_slice %arg15[%dma_wait3A_224] : memref<4x!tpu.dma_semaphore, #tpu.memory_space<semaphore_mem>> -> memref<1x!tpu.dma_semaphore, #tpu.memory_space<semaphore_mem>>
    %dma_wait3A_236 = tpu.memref_squeeze %dma_wait3A_235 : memref<1x!tpu.dma_semaphore, #tpu.memory_space<semaphore_mem>> -> memref<!tpu.dma_semaphore, #tpu.memory_space<semaphore_mem>>
    tpu.wait_indirect_dma semaphore(%dma_wait3A_236 : memref<!tpu.dma_semaphore, #tpu.memory_space<semaphore_mem>>) src(%dma_wait3A_228 : memref<128x16xf32, #tpu.memory_space<vmem>>) dst(%dma_wait3A_234 : memref<10240x16xf32, #tpu.memory_space<vmem_shared>>)
    %dma_wait3A_237 = arith.constant 0 : i32
    %dma_wait3A_238 = arith.constant 0 : i32
    %dma_wait3A_239 = arith.constant 0 : i32
    %dma_wait3A_240 = arith.constant 0 : i32
    %dma_wait3A_241 = arith.constant 0 : i32
    %dma_wait3A_242 = tpu.memref_slice %arg11[%dma_wait3A_237, %dma_wait3A_240, %dma_wait3A_241] : memref<4x128x16xf32, #tpu.memory_space<vmem>> -> memref<1x128x16xf32, #tpu.memory_space<vmem>>
    %dma_wait3A_243 = tpu.memref_squeeze %dma_wait3A_242 : memref<1x128x16xf32, #tpu.memory_space<vmem>> -> memref<128x16xf32, #tpu.memory_space<vmem>>
    %dma_wait3A_244 = arith.constant 0 : i32
    %dma_wait3A_245 = tpu.memref_slice %arg10[%dma_wait3A_238, %dma_wait3A_244] : memref<157x128xi32, #tpu.memory_space<vmem>> -> memref<1x128xi32, #tpu.memory_space<vmem>>
    %dma_wait3A_246 = tpu.memref_squeeze %dma_wait3A_245 : memref<1x128xi32, #tpu.memory_space<vmem>> -> memref<128xi32, #tpu.memory_space<vmem>>
    %dma_wait3A_247 = arith.constant 0 : i32
    %dma_wait3A_248 = arith.constant 0 : i32
    %dma_wait3A_249 = tpu.memref_slice %arg13[%dma_wait3A_247, %dma_wait3A_248] : memref<10240x16xf32, #tpu.memory_space<vmem_shared>> -> memref<10240x16xf32, #tpu.memory_space<vmem_shared>>
    %dma_wait3A_250 = tpu.memref_slice %arg15[%dma_wait3A_239] : memref<4x!tpu.dma_semaphore, #tpu.memory_space<semaphore_mem>> -> memref<1x!tpu.dma_semaphore, #tpu.memory_space<semaphore_mem>>
    %dma_wait3A_251 = tpu.memref_squeeze %dma_wait3A_250 : memref<1x!tpu.dma_semaphore, #tpu.memory_space<semaphore_mem>> -> memref<!tpu.dma_semaphore, #tpu.memory_space<semaphore_mem>>
    tpu.wait_indirect_dma semaphore(%dma_wait3A_251 : memref<!tpu.dma_semaphore, #tpu.memory_space<semaphore_mem>>) src(%dma_wait3A_243 : memref<128x16xf32, #tpu.memory_space<vmem>>) dst(%dma_wait3A_249 : memref<10240x16xf32, #tpu.memory_space<vmem_shared>>)
    %barrier3A_252 = arith.constant 0 : index
    tpu.barrier barrier_id(%barrier3A_252)
    %add3A_253 = arith.constant 0 : i32
    %add3A_254 = arith.addi %multiple_of3A, %add3A_253 : i32
    %add3A_255 = arith.constant 0 : i32
    %add3A_256 = arith.addi %multiple_of3A, %add3A_255 : i32
    %mul3A_257 = arith.constant 16 : i32
    %mul3A_258 = arith.muli %add3A_135, %mul3A_257 : i32
    "tpu.region"() ({
      %run_scoped3A = tpu.sem_alloc : memref<!tpu.dma_semaphore, #tpu.memory_space<semaphore_mem>>
      %dma_start3A_536 = tpu.memref_slice %arg7[%add3A_256, %mul3A_258] : memref<10240x128xf32, #tpu.memory_space<hbm>> -> memref<320x16xf32, #tpu.memory_space<hbm>>
      %dma_start3A_537 = arith.constant 0 : i32
      %dma_start3A_538 = tpu.memref_slice %arg13[%add3A_254, %dma_start3A_537] : memref<10240x16xf32, #tpu.memory_space<vmem_shared>> -> memref<320x16xf32, #tpu.memory_space<vmem_shared>>
      tpu.enqueue_dma source(%dma_start3A_538 : memref<320x16xf32, #tpu.memory_space<vmem_shared>>) target(%dma_start3A_536 : memref<320x16xf32, #tpu.memory_space<hbm>>) target_semaphore(%run_scoped3A : memref<!tpu.dma_semaphore, #tpu.memory_space<semaphore_mem>>)
      %dma_wait3A_539 = tpu.memref_slice %arg7[%add3A_256, %mul3A_258] : memref<10240x128xf32, #tpu.memory_space<hbm>> -> memref<320x16xf32, #tpu.memory_space<hbm>>
      %dma_wait3A_540 = arith.constant 0 : i32
      %dma_wait3A_541 = tpu.memref_slice %arg13[%add3A_254, %dma_wait3A_540] : memref<10240x16xf32, #tpu.memory_space<vmem_shared>> -> memref<320x16xf32, #tpu.memory_space<vmem_shared>>
      tpu.wait_dma2 semaphore(%run_scoped3A : memref<!tpu.dma_semaphore, #tpu.memory_space<semaphore_mem>>) src(%dma_wait3A_541 : memref<320x16xf32, #tpu.memory_space<vmem_shared>>) dst(%dma_wait3A_539 : memref<320x16xf32, #tpu.memory_space<hbm>>)
      tpu.yield
    }) : () -> ()
    %add3A_259 = arith.constant 320 : i32
    %add3A_260 = arith.addi %multiple_of3A, %add3A_259 : i32
    %add3A_261 = arith.constant 320 : i32
    %add3A_262 = arith.addi %multiple_of3A, %add3A_261 : i32
    %mul3A_263 = arith.constant 16 : i32
    %mul3A_264 = arith.muli %add3A_135, %mul3A_263 : i32
    "tpu.region"() ({
      %run_scoped3A = tpu.sem_alloc : memref<!tpu.dma_semaphore, #tpu.memory_space<semaphore_mem>>
      %dma_start3A_536 = tpu.memref_slice %arg7[%add3A_262, %mul3A_264] : memref<10240x128xf32, #tpu.memory_space<hbm>> -> memref<320x16xf32, #tpu.memory_space<hbm>>
      %dma_start3A_537 = arith.constant 0 : i32
      %dma_start3A_538 = tpu.memref_slice %arg13[%add3A_260, %dma_start3A_537] : memref<10240x16xf32, #tpu.memory_space<vmem_shared>> -> memref<320x16xf32, #tpu.memory_space<vmem_shared>>
      tpu.enqueue_dma source(%dma_start3A_538 : memref<320x16xf32, #tpu.memory_space<vmem_shared>>) target(%dma_start3A_536 : memref<320x16xf32, #tpu.memory_space<hbm>>) target_semaphore(%run_scoped3A : memref<!tpu.dma_semaphore, #tpu.memory_space<semaphore_mem>>)
      %dma_wait3A_539 = tpu.memref_slice %arg7[%add3A_262, %mul3A_264] : memref<10240x128xf32, #tpu.memory_space<hbm>> -> memref<320x16xf32, #tpu.memory_space<hbm>>
      %dma_wait3A_540 = arith.constant 0 : i32
      %dma_wait3A_541 = tpu.memref_slice %arg13[%add3A_260, %dma_wait3A_540] : memref<10240x16xf32, #tpu.memory_space<vmem_shared>> -> memref<320x16xf32, #tpu.memory_space<vmem_shared>>
      tpu.wait_dma2 semaphore(%run_scoped3A : memref<!tpu.dma_semaphore, #tpu.memory_space<semaphore_mem>>) src(%dma_wait3A_541 : memref<320x16xf32, #tpu.memory_space<vmem_shared>>) dst(%dma_wait3A_539 : memref<320x16xf32, #tpu.memory_space<hbm>>)
      tpu.yield
    }) : () -> ()
    %barrier3A_265 = arith.constant 0 : index
    tpu.barrier barrier_id(%barrier3A_265)
    %mul3A_266 = arith.constant 4 : i32
    %mul3A_267 = arith.muli %arg0, %mul3A_266 : i32
    %add3A_268 = arith.constant 2 : i32
    %add3A_269 = arith.addi %mul3A_267, %add3A_268 : i32
    %add3A_270 = arith.constant 0 : i32
    %add3A_271 = arith.addi %multiple_of3A, %add3A_270 : i32
    "tpu.region"() ({
      %run_scoped3A = tpu.sem_alloc : memref<!tpu.dma_semaphore, #tpu.memory_space<semaphore_mem>>
      %dma_start3A_536 = arith.constant 0 : i32
      %dma_start3A_537 = tpu.memref_slice %arg13[%add3A_271, %dma_start3A_536] : memref<10240x16xf32, #tpu.memory_space<vmem_shared>> -> memref<320x16xf32, #tpu.memory_space<vmem_shared>>
      tpu.enqueue_dma source(%arg5 : memref<320x16xf32, #tpu.memory_space<hbm>>) target(%dma_start3A_537 : memref<320x16xf32, #tpu.memory_space<vmem_shared>>) target_semaphore(%run_scoped3A : memref<!tpu.dma_semaphore, #tpu.memory_space<semaphore_mem>>)
      %dma_wait3A_538 = arith.constant 0 : i32
      %dma_wait3A_539 = tpu.memref_slice %arg13[%add3A_271, %dma_wait3A_538] : memref<10240x16xf32, #tpu.memory_space<vmem_shared>> -> memref<320x16xf32, #tpu.memory_space<vmem_shared>>
      tpu.wait_dma2 semaphore(%run_scoped3A : memref<!tpu.dma_semaphore, #tpu.memory_space<semaphore_mem>>) src(%arg5 : memref<320x16xf32, #tpu.memory_space<hbm>>) dst(%dma_wait3A_539 : memref<320x16xf32, #tpu.memory_space<vmem_shared>>)
      tpu.yield
    }) : () -> ()
    %add3A_272 = arith.constant 320 : i32
    %add3A_273 = arith.addi %multiple_of3A, %add3A_272 : i32
    "tpu.region"() ({
      %run_scoped3A = tpu.sem_alloc : memref<!tpu.dma_semaphore, #tpu.memory_space<semaphore_mem>>
      %dma_start3A_536 = arith.constant 0 : i32
      %dma_start3A_537 = tpu.memref_slice %arg13[%add3A_273, %dma_start3A_536] : memref<10240x16xf32, #tpu.memory_space<vmem_shared>> -> memref<320x16xf32, #tpu.memory_space<vmem_shared>>
      tpu.enqueue_dma source(%arg5 : memref<320x16xf32, #tpu.memory_space<hbm>>) target(%dma_start3A_537 : memref<320x16xf32, #tpu.memory_space<vmem_shared>>) target_semaphore(%run_scoped3A : memref<!tpu.dma_semaphore, #tpu.memory_space<semaphore_mem>>)
      %dma_wait3A_538 = arith.constant 0 : i32
      %dma_wait3A_539 = tpu.memref_slice %arg13[%add3A_273, %dma_wait3A_538] : memref<10240x16xf32, #tpu.memory_space<vmem_shared>> -> memref<320x16xf32, #tpu.memory_space<vmem_shared>>
      tpu.wait_dma2 semaphore(%run_scoped3A : memref<!tpu.dma_semaphore, #tpu.memory_space<semaphore_mem>>) src(%arg5 : memref<320x16xf32, #tpu.memory_space<hbm>>) dst(%dma_wait3A_539 : memref<320x16xf32, #tpu.memory_space<vmem_shared>>)
      tpu.yield
    }) : () -> ()
    "tpu.region"() ({
      %run_scoped3A = tpu.sem_alloc : memref<!tpu.dma_semaphore, #tpu.memory_space<semaphore_mem>>
      %dma_start3A_536 = arith.constant 0 : i32
      %dma_start3A_537 = tpu.memref_slice %arg3[%add3A_269, %mul3A_2, %dma_start3A_536] : memref<8x2512x128xi32, #tpu.memory_space<hbm>> -> memref<1x157x128xi32, #tpu.memory_space<hbm>>
      %dma_start3A_538 = tpu.memref_squeeze %dma_start3A_537 : memref<1x157x128xi32, #tpu.memory_space<hbm>> -> memref<157x128xi32, #tpu.memory_space<hbm>>
      %dma_start3A_539 = arith.constant 0 : i32
      %dma_start3A_540 = tpu.memref_slice %arg3[%add3A_269, %mul3A_2, %dma_start3A_539] : memref<8x2512x128xi32, #tpu.memory_space<hbm>> -> memref<1x157x128xi32, #tpu.memory_space<hbm>>
      %dma_start3A_541 = tpu.memref_squeeze %dma_start3A_540 : memref<1x157x128xi32, #tpu.memory_space<hbm>> -> memref<157x128xi32, #tpu.memory_space<hbm>>
      tpu.enqueue_dma source(%dma_start3A_541 : memref<157x128xi32, #tpu.memory_space<hbm>>) target(%arg9 : memref<157x128xi32, #tpu.memory_space<vmem>>) target_semaphore(%run_scoped3A : memref<!tpu.dma_semaphore, #tpu.memory_space<semaphore_mem>>)
      %dma_wait3A_542 = arith.constant 0 : i32
      %dma_wait3A_543 = tpu.memref_slice %arg3[%add3A_269, %mul3A_2, %dma_wait3A_542] : memref<8x2512x128xi32, #tpu.memory_space<hbm>> -> memref<1x157x128xi32, #tpu.memory_space<hbm>>
      %dma_wait3A_544 = tpu.memref_squeeze %dma_wait3A_543 : memref<1x157x128xi32, #tpu.memory_space<hbm>> -> memref<157x128xi32, #tpu.memory_space<hbm>>
      %dma_wait3A_545 = arith.constant 0 : i32
      %dma_wait3A_546 = tpu.memref_slice %arg3[%add3A_269, %mul3A_2, %dma_wait3A_545] : memref<8x2512x128xi32, #tpu.memory_space<hbm>> -> memref<1x157x128xi32, #tpu.memory_space<hbm>>
      %dma_wait3A_547 = tpu.memref_squeeze %dma_wait3A_546 : memref<1x157x128xi32, #tpu.memory_space<hbm>> -> memref<157x128xi32, #tpu.memory_space<hbm>>
      tpu.wait_dma2 semaphore(%run_scoped3A : memref<!tpu.dma_semaphore, #tpu.memory_space<semaphore_mem>>) src(%dma_wait3A_547 : memref<157x128xi32, #tpu.memory_space<hbm>>) dst(%arg9 : memref<157x128xi32, #tpu.memory_space<vmem>>)
      tpu.yield
    }) : () -> ()
    %barrier3A_274 = arith.constant 0 : index
    tpu.barrier barrier_id(%barrier3A_274)
    %dma_start3A_275 = arith.constant 0 : i32
    %dma_start3A_276 = arith.constant 0 : i32
    %dma_start3A_277 = arith.constant 0 : i32
    %dma_start3A_278 = arith.constant 0 : i32
    %dma_start3A_279 = arith.constant 0 : i32
    %dma_start3A_280 = tpu.memref_slice %arg11[%dma_start3A_276, %dma_start3A_278, %dma_start3A_279] : memref<4x128x16xf32, #tpu.memory_space<vmem>> -> memref<1x128x16xf32, #tpu.memory_space<vmem>>
    %dma_start3A_281 = tpu.memref_squeeze %dma_start3A_280 : memref<1x128x16xf32, #tpu.memory_space<vmem>> -> memref<128x16xf32, #tpu.memory_space<vmem>>
    %dma_start3A_282 = arith.constant 0 : i32
    %dma_start3A_283 = tpu.memref_slice %arg9[%dma_start3A_275, %dma_start3A_282] : memref<157x128xi32, #tpu.memory_space<vmem>> -> memref<1x128xi32, #tpu.memory_space<vmem>>
    %dma_start3A_284 = tpu.memref_squeeze %dma_start3A_283 : memref<1x128xi32, #tpu.memory_space<vmem>> -> memref<128xi32, #tpu.memory_space<vmem>>
    %dma_start3A_285 = arith.constant 0 : i32
    %dma_start3A_286 = arith.constant 0 : i32
    %dma_start3A_287 = tpu.memref_slice %arg2[%dma_start3A_285, %dma_start3A_286] : memref<80000x16xf32, #tpu.memory_space<hbm>> -> memref<80000x16xf32, #tpu.memory_space<hbm>>
    %dma_start3A_288 = tpu.memref_slice %arg14[%dma_start3A_277] : memref<4x!tpu.dma_semaphore, #tpu.memory_space<semaphore_mem>> -> memref<1x!tpu.dma_semaphore, #tpu.memory_space<semaphore_mem>>
    %dma_start3A_289 = tpu.memref_squeeze %dma_start3A_288 : memref<1x!tpu.dma_semaphore, #tpu.memory_space<semaphore_mem>> -> memref<!tpu.dma_semaphore, #tpu.memory_space<semaphore_mem>>
    tpu.enqueue_indirect_dma source(%dma_start3A_287 : memref<80000x16xf32, #tpu.memory_space<hbm>>) target(%dma_start3A_281 : memref<128x16xf32, #tpu.memory_space<vmem>>) offsets(%dma_start3A_284 : memref<128xi32, #tpu.memory_space<vmem>>) semaphore(%dma_start3A_289 : memref<!tpu.dma_semaphore, #tpu.memory_space<semaphore_mem>>)
    %dma_start3A_290 = arith.constant 1 : i32
    %dma_start3A_291 = arith.constant 1 : i32
    %dma_start3A_292 = arith.constant 1 : i32
    %dma_start3A_293 = arith.constant 0 : i32
    %dma_start3A_294 = arith.constant 0 : i32
    %dma_start3A_295 = tpu.memref_slice %arg11[%dma_start3A_291, %dma_start3A_293, %dma_start3A_294] : memref<4x128x16xf32, #tpu.memory_space<vmem>> -> memref<1x128x16xf32, #tpu.memory_space<vmem>>
    %dma_start3A_296 = tpu.memref_squeeze %dma_start3A_295 : memref<1x128x16xf32, #tpu.memory_space<vmem>> -> memref<128x16xf32, #tpu.memory_space<vmem>>
    %dma_start3A_297 = arith.constant 0 : i32
    %dma_start3A_298 = tpu.memref_slice %arg9[%dma_start3A_290, %dma_start3A_297] : memref<157x128xi32, #tpu.memory_space<vmem>> -> memref<1x128xi32, #tpu.memory_space<vmem>>
    %dma_start3A_299 = tpu.memref_squeeze %dma_start3A_298 : memref<1x128xi32, #tpu.memory_space<vmem>> -> memref<128xi32, #tpu.memory_space<vmem>>
    %dma_start3A_300 = arith.constant 0 : i32
    %dma_start3A_301 = arith.constant 0 : i32
    %dma_start3A_302 = tpu.memref_slice %arg2[%dma_start3A_300, %dma_start3A_301] : memref<80000x16xf32, #tpu.memory_space<hbm>> -> memref<80000x16xf32, #tpu.memory_space<hbm>>
    %dma_start3A_303 = tpu.memref_slice %arg14[%dma_start3A_292] : memref<4x!tpu.dma_semaphore, #tpu.memory_space<semaphore_mem>> -> memref<1x!tpu.dma_semaphore, #tpu.memory_space<semaphore_mem>>
    %dma_start3A_304 = tpu.memref_squeeze %dma_start3A_303 : memref<1x!tpu.dma_semaphore, #tpu.memory_space<semaphore_mem>> -> memref<!tpu.dma_semaphore, #tpu.memory_space<semaphore_mem>>
    tpu.enqueue_indirect_dma source(%dma_start3A_302 : memref<80000x16xf32, #tpu.memory_space<hbm>>) target(%dma_start3A_296 : memref<128x16xf32, #tpu.memory_space<vmem>>) offsets(%dma_start3A_299 : memref<128xi32, #tpu.memory_space<vmem>>) semaphore(%dma_start3A_304 : memref<!tpu.dma_semaphore, #tpu.memory_space<semaphore_mem>>)
    %dma_start3A_305 = arith.constant 2 : i32
    %dma_start3A_306 = arith.constant 2 : i32
    %dma_start3A_307 = arith.constant 2 : i32
    %dma_start3A_308 = arith.constant 0 : i32
    %dma_start3A_309 = arith.constant 0 : i32
    %dma_start3A_310 = tpu.memref_slice %arg11[%dma_start3A_306, %dma_start3A_308, %dma_start3A_309] : memref<4x128x16xf32, #tpu.memory_space<vmem>> -> memref<1x128x16xf32, #tpu.memory_space<vmem>>
    %dma_start3A_311 = tpu.memref_squeeze %dma_start3A_310 : memref<1x128x16xf32, #tpu.memory_space<vmem>> -> memref<128x16xf32, #tpu.memory_space<vmem>>
    %dma_start3A_312 = arith.constant 0 : i32
    %dma_start3A_313 = tpu.memref_slice %arg9[%dma_start3A_305, %dma_start3A_312] : memref<157x128xi32, #tpu.memory_space<vmem>> -> memref<1x128xi32, #tpu.memory_space<vmem>>
    %dma_start3A_314 = tpu.memref_squeeze %dma_start3A_313 : memref<1x128xi32, #tpu.memory_space<vmem>> -> memref<128xi32, #tpu.memory_space<vmem>>
    %dma_start3A_315 = arith.constant 0 : i32
    %dma_start3A_316 = arith.constant 0 : i32
    %dma_start3A_317 = tpu.memref_slice %arg2[%dma_start3A_315, %dma_start3A_316] : memref<80000x16xf32, #tpu.memory_space<hbm>> -> memref<80000x16xf32, #tpu.memory_space<hbm>>
    %dma_start3A_318 = tpu.memref_slice %arg14[%dma_start3A_307] : memref<4x!tpu.dma_semaphore, #tpu.memory_space<semaphore_mem>> -> memref<1x!tpu.dma_semaphore, #tpu.memory_space<semaphore_mem>>
    %dma_start3A_319 = tpu.memref_squeeze %dma_start3A_318 : memref<1x!tpu.dma_semaphore, #tpu.memory_space<semaphore_mem>> -> memref<!tpu.dma_semaphore, #tpu.memory_space<semaphore_mem>>
    tpu.enqueue_indirect_dma source(%dma_start3A_317 : memref<80000x16xf32, #tpu.memory_space<hbm>>) target(%dma_start3A_311 : memref<128x16xf32, #tpu.memory_space<vmem>>) offsets(%dma_start3A_314 : memref<128xi32, #tpu.memory_space<vmem>>) semaphore(%dma_start3A_319 : memref<!tpu.dma_semaphore, #tpu.memory_space<semaphore_mem>>)
    %scan3A_320 = arith.constant 0 : i32
    %scan3A_321 = arith.constant 0 : i32
    %scan3A_322 = arith.constant 157 : i32
    %scan3A_323 = arith.addi %scan3A_321, %scan3A_322 : i32
    %scan3A_324 = arith.constant 1 : i32
    scf.for %scan3A_536 = %scan3A_321 to %scan3A_323 step %scan3A_324  : i32 {
      %rem3A = arith.constant 4 : i32
      %rem3A_537 = arith.remsi %scan3A_536, %rem3A : i32
      %add3A_538 = arith.constant 3 : i32
      %add3A_539 = arith.addi %scan3A_536, %add3A_538 : i32
      %lt3A = arith.constant 157 : i32
      %lt3A_540 = arith.cmpi slt, %add3A_539, %lt3A : i32
      %convert_element_type3A_541 = arith.extui %lt3A_540 : i1 to i32
      %cond3A_542 = arith.constant 0 : i32
      %cond3A_543 = arith.cmpi ne, %convert_element_type3A_541, %cond3A_542 : i32
      scf.if %cond3A_543 {
        %add3A_569 = arith.constant 3 : i32
        %add3A_570 = arith.addi %scan3A_536, %add3A_569 : i32
        %rem3A_571 = arith.constant 4 : i32
        %rem3A_572 = arith.remsi %add3A_570, %rem3A_571 : i32
        %ge3A = arith.constant 1 : i32
        %ge3A_573 = arith.cmpi sge, %scan3A_536, %ge3A : i32
        %convert_element_type3A_574 = arith.extui %ge3A_573 : i1 to i32
        %cond3A_575 = arith.constant 0 : i32
        %cond3A_576 = arith.cmpi ne, %convert_element_type3A_574, %cond3A_575 : i32
        scf.if %cond3A_576 {
          %dma_wait3A_591 = arith.constant 0 : i32
          %dma_wait3A_592 = arith.constant 0 : i32
          %dma_wait3A_593 = arith.constant 0 : i32
          %dma_wait3A_594 = tpu.memref_slice %arg11[%rem3A_572, %dma_wait3A_592, %dma_wait3A_593] : memref<4x128x16xf32, #tpu.memory_space<vmem>> -> memref<1x128x16xf32, #tpu.memory_space<vmem>>
          %dma_wait3A_595 = tpu.memref_squeeze %dma_wait3A_594 : memref<1x128x16xf32, #tpu.memory_space<vmem>> -> memref<128x16xf32, #tpu.memory_space<vmem>>
          %dma_wait3A_596 = arith.constant 0 : i32
          %dma_wait3A_597 = tpu.memref_slice %arg10[%dma_wait3A_591, %dma_wait3A_596] : memref<157x128xi32, #tpu.memory_space<vmem>> -> memref<1x128xi32, #tpu.memory_space<vmem>>
          %dma_wait3A_598 = tpu.memref_squeeze %dma_wait3A_597 : memref<1x128xi32, #tpu.memory_space<vmem>> -> memref<128xi32, #tpu.memory_space<vmem>>
          %dma_wait3A_599 = arith.constant 0 : i32
          %dma_wait3A_600 = arith.constant 0 : i32
          %dma_wait3A_601 = tpu.memref_slice %arg13[%dma_wait3A_599, %dma_wait3A_600] : memref<10240x16xf32, #tpu.memory_space<vmem_shared>> -> memref<10240x16xf32, #tpu.memory_space<vmem_shared>>
          %dma_wait3A_602 = tpu.memref_slice %arg15[%rem3A_572] : memref<4x!tpu.dma_semaphore, #tpu.memory_space<semaphore_mem>> -> memref<1x!tpu.dma_semaphore, #tpu.memory_space<semaphore_mem>>
          %dma_wait3A_603 = tpu.memref_squeeze %dma_wait3A_602 : memref<1x!tpu.dma_semaphore, #tpu.memory_space<semaphore_mem>> -> memref<!tpu.dma_semaphore, #tpu.memory_space<semaphore_mem>>
          tpu.wait_indirect_dma semaphore(%dma_wait3A_603 : memref<!tpu.dma_semaphore, #tpu.memory_space<semaphore_mem>>) src(%dma_wait3A_595 : memref<128x16xf32, #tpu.memory_space<vmem>>) dst(%dma_wait3A_601 : memref<10240x16xf32, #tpu.memory_space<vmem_shared>>)
        } else {
        }
        %add3A_577 = arith.constant 3 : i32
        %add3A_578 = arith.addi %scan3A_536, %add3A_577 : i32
        %dma_start3A_579 = arith.constant 0 : i32
        %dma_start3A_580 = arith.constant 0 : i32
        %dma_start3A_581 = tpu.memref_slice %arg11[%rem3A_572, %dma_start3A_579, %dma_start3A_580] : memref<4x128x16xf32, #tpu.memory_space<vmem>> -> memref<1x128x16xf32, #tpu.memory_space<vmem>>
        %dma_start3A_582 = tpu.memref_squeeze %dma_start3A_581 : memref<1x128x16xf32, #tpu.memory_space<vmem>> -> memref<128x16xf32, #tpu.memory_space<vmem>>
        %dma_start3A_583 = arith.constant 0 : i32
        %dma_start3A_584 = tpu.memref_slice %arg9[%add3A_578, %dma_start3A_583] : memref<157x128xi32, #tpu.memory_space<vmem>> -> memref<1x128xi32, #tpu.memory_space<vmem>>
        %dma_start3A_585 = tpu.memref_squeeze %dma_start3A_584 : memref<1x128xi32, #tpu.memory_space<vmem>> -> memref<128xi32, #tpu.memory_space<vmem>>
        %dma_start3A_586 = arith.constant 0 : i32
        %dma_start3A_587 = arith.constant 0 : i32
        %dma_start3A_588 = tpu.memref_slice %arg2[%dma_start3A_586, %dma_start3A_587] : memref<80000x16xf32, #tpu.memory_space<hbm>> -> memref<80000x16xf32, #tpu.memory_space<hbm>>
        %dma_start3A_589 = tpu.memref_slice %arg14[%rem3A_572] : memref<4x!tpu.dma_semaphore, #tpu.memory_space<semaphore_mem>> -> memref<1x!tpu.dma_semaphore, #tpu.memory_space<semaphore_mem>>
        %dma_start3A_590 = tpu.memref_squeeze %dma_start3A_589 : memref<1x!tpu.dma_semaphore, #tpu.memory_space<semaphore_mem>> -> memref<!tpu.dma_semaphore, #tpu.memory_space<semaphore_mem>>
        tpu.enqueue_indirect_dma source(%dma_start3A_588 : memref<80000x16xf32, #tpu.memory_space<hbm>>) target(%dma_start3A_582 : memref<128x16xf32, #tpu.memory_space<vmem>>) offsets(%dma_start3A_585 : memref<128xi32, #tpu.memory_space<vmem>>) semaphore(%dma_start3A_590 : memref<!tpu.dma_semaphore, #tpu.memory_space<semaphore_mem>>)
      } else {
      }
      %dma_wait3A_544 = arith.constant 0 : i32
      %dma_wait3A_545 = arith.constant 0 : i32
      %dma_wait3A_546 = arith.constant 0 : i32
      %dma_wait3A_547 = tpu.memref_slice %arg11[%rem3A_537, %dma_wait3A_545, %dma_wait3A_546] : memref<4x128x16xf32, #tpu.memory_space<vmem>> -> memref<1x128x16xf32, #tpu.memory_space<vmem>>
      %dma_wait3A_548 = tpu.memref_squeeze %dma_wait3A_547 : memref<1x128x16xf32, #tpu.memory_space<vmem>> -> memref<128x16xf32, #tpu.memory_space<vmem>>
      %dma_wait3A_549 = arith.constant 0 : i32
      %dma_wait3A_550 = tpu.memref_slice %arg9[%dma_wait3A_544, %dma_wait3A_549] : memref<157x128xi32, #tpu.memory_space<vmem>> -> memref<1x128xi32, #tpu.memory_space<vmem>>
      %dma_wait3A_551 = tpu.memref_squeeze %dma_wait3A_550 : memref<1x128xi32, #tpu.memory_space<vmem>> -> memref<128xi32, #tpu.memory_space<vmem>>
      %dma_wait3A_552 = arith.constant 0 : i32
      %dma_wait3A_553 = arith.constant 0 : i32
      %dma_wait3A_554 = tpu.memref_slice %arg2[%dma_wait3A_552, %dma_wait3A_553] : memref<80000x16xf32, #tpu.memory_space<hbm>> -> memref<80000x16xf32, #tpu.memory_space<hbm>>
      %dma_wait3A_555 = tpu.memref_slice %arg14[%rem3A_537] : memref<4x!tpu.dma_semaphore, #tpu.memory_space<semaphore_mem>> -> memref<1x!tpu.dma_semaphore, #tpu.memory_space<semaphore_mem>>
      %dma_wait3A_556 = tpu.memref_squeeze %dma_wait3A_555 : memref<1x!tpu.dma_semaphore, #tpu.memory_space<semaphore_mem>> -> memref<!tpu.dma_semaphore, #tpu.memory_space<semaphore_mem>>
      tpu.wait_indirect_dma semaphore(%dma_wait3A_556 : memref<!tpu.dma_semaphore, #tpu.memory_space<semaphore_mem>>) src(%dma_wait3A_554 : memref<80000x16xf32, #tpu.memory_space<hbm>>) dst(%dma_wait3A_548 : memref<128x16xf32, #tpu.memory_space<vmem>>)
      %dma_start3A_557 = arith.constant 0 : i32
      %dma_start3A_558 = arith.constant 0 : i32
      %dma_start3A_559 = tpu.memref_slice %arg11[%rem3A_537, %dma_start3A_557, %dma_start3A_558] : memref<4x128x16xf32, #tpu.memory_space<vmem>> -> memref<1x128x16xf32, #tpu.memory_space<vmem>>
      %dma_start3A_560 = tpu.memref_squeeze %dma_start3A_559 : memref<1x128x16xf32, #tpu.memory_space<vmem>> -> memref<128x16xf32, #tpu.memory_space<vmem>>
      %dma_start3A_561 = arith.constant 0 : i32
      %dma_start3A_562 = tpu.memref_slice %arg10[%scan3A_536, %dma_start3A_561] : memref<157x128xi32, #tpu.memory_space<vmem>> -> memref<1x128xi32, #tpu.memory_space<vmem>>
      %dma_start3A_563 = tpu.memref_squeeze %dma_start3A_562 : memref<1x128xi32, #tpu.memory_space<vmem>> -> memref<128xi32, #tpu.memory_space<vmem>>
      %dma_start3A_564 = arith.constant 0 : i32
      %dma_start3A_565 = arith.constant 0 : i32
      %dma_start3A_566 = tpu.memref_slice %arg13[%dma_start3A_564, %dma_start3A_565] : memref<10240x16xf32, #tpu.memory_space<vmem_shared>> -> memref<10240x16xf32, #tpu.memory_space<vmem_shared>>
      %dma_start3A_567 = tpu.memref_slice %arg15[%rem3A_537] : memref<4x!tpu.dma_semaphore, #tpu.memory_space<semaphore_mem>> -> memref<1x!tpu.dma_semaphore, #tpu.memory_space<semaphore_mem>>
      %dma_start3A_568 = tpu.memref_squeeze %dma_start3A_567 : memref<1x!tpu.dma_semaphore, #tpu.memory_space<semaphore_mem>> -> memref<!tpu.dma_semaphore, #tpu.memory_space<semaphore_mem>>
      tpu.enqueue_indirect_dma source(%dma_start3A_560 : memref<128x16xf32, #tpu.memory_space<vmem>>) target(%dma_start3A_566 : memref<10240x16xf32, #tpu.memory_space<vmem_shared>>) offsets(%dma_start3A_563 : memref<128xi32, #tpu.memory_space<vmem>>) semaphore(%dma_start3A_568 : memref<!tpu.dma_semaphore, #tpu.memory_space<semaphore_mem>>) {add = true}
    }
    %scan3A_325 = arith.constant 157 : i32
    %dma_wait3A_326 = arith.constant 1 : i32
    %dma_wait3A_327 = arith.constant 0 : i32
    %dma_wait3A_328 = arith.constant 1 : i32
    %dma_wait3A_329 = arith.constant 0 : i32
    %dma_wait3A_330 = arith.constant 0 : i32
    %dma_wait3A_331 = tpu.memref_slice %arg11[%dma_wait3A_326, %dma_wait3A_329, %dma_wait3A_330] : memref<4x128x16xf32, #tpu.memory_space<vmem>> -> memref<1x128x16xf32, #tpu.memory_space<vmem>>
    %dma_wait3A_332 = tpu.memref_squeeze %dma_wait3A_331 : memref<1x128x16xf32, #tpu.memory_space<vmem>> -> memref<128x16xf32, #tpu.memory_space<vmem>>
    %dma_wait3A_333 = arith.constant 0 : i32
    %dma_wait3A_334 = tpu.memref_slice %arg10[%dma_wait3A_327, %dma_wait3A_333] : memref<157x128xi32, #tpu.memory_space<vmem>> -> memref<1x128xi32, #tpu.memory_space<vmem>>
    %dma_wait3A_335 = tpu.memref_squeeze %dma_wait3A_334 : memref<1x128xi32, #tpu.memory_space<vmem>> -> memref<128xi32, #tpu.memory_space<vmem>>
    %dma_wait3A_336 = arith.constant 0 : i32
    %dma_wait3A_337 = arith.constant 0 : i32
    %dma_wait3A_338 = tpu.memref_slice %arg13[%dma_wait3A_336, %dma_wait3A_337] : memref<10240x16xf32, #tpu.memory_space<vmem_shared>> -> memref<10240x16xf32, #tpu.memory_space<vmem_shared>>
    %dma_wait3A_339 = tpu.memref_slice %arg15[%dma_wait3A_328] : memref<4x!tpu.dma_semaphore, #tpu.memory_space<semaphore_mem>> -> memref<1x!tpu.dma_semaphore, #tpu.memory_space<semaphore_mem>>
    %dma_wait3A_340 = tpu.memref_squeeze %dma_wait3A_339 : memref<1x!tpu.dma_semaphore, #tpu.memory_space<semaphore_mem>> -> memref<!tpu.dma_semaphore, #tpu.memory_space<semaphore_mem>>
    tpu.wait_indirect_dma semaphore(%dma_wait3A_340 : memref<!tpu.dma_semaphore, #tpu.memory_space<semaphore_mem>>) src(%dma_wait3A_332 : memref<128x16xf32, #tpu.memory_space<vmem>>) dst(%dma_wait3A_338 : memref<10240x16xf32, #tpu.memory_space<vmem_shared>>)
    %dma_wait3A_341 = arith.constant 2 : i32
    %dma_wait3A_342 = arith.constant 0 : i32
    %dma_wait3A_343 = arith.constant 2 : i32
    %dma_wait3A_344 = arith.constant 0 : i32
    %dma_wait3A_345 = arith.constant 0 : i32
    %dma_wait3A_346 = tpu.memref_slice %arg11[%dma_wait3A_341, %dma_wait3A_344, %dma_wait3A_345] : memref<4x128x16xf32, #tpu.memory_space<vmem>> -> memref<1x128x16xf32, #tpu.memory_space<vmem>>
    %dma_wait3A_347 = tpu.memref_squeeze %dma_wait3A_346 : memref<1x128x16xf32, #tpu.memory_space<vmem>> -> memref<128x16xf32, #tpu.memory_space<vmem>>
    %dma_wait3A_348 = arith.constant 0 : i32
    %dma_wait3A_349 = tpu.memref_slice %arg10[%dma_wait3A_342, %dma_wait3A_348] : memref<157x128xi32, #tpu.memory_space<vmem>> -> memref<1x128xi32, #tpu.memory_space<vmem>>
    %dma_wait3A_350 = tpu.memref_squeeze %dma_wait3A_349 : memref<1x128xi32, #tpu.memory_space<vmem>> -> memref<128xi32, #tpu.memory_space<vmem>>
    %dma_wait3A_351 = arith.constant 0 : i32
    %dma_wait3A_352 = arith.constant 0 : i32
    %dma_wait3A_353 = tpu.memref_slice %arg13[%dma_wait3A_351, %dma_wait3A_352] : memref<10240x16xf32, #tpu.memory_space<vmem_shared>> -> memref<10240x16xf32, #tpu.memory_space<vmem_shared>>
    %dma_wait3A_354 = tpu.memref_slice %arg15[%dma_wait3A_343] : memref<4x!tpu.dma_semaphore, #tpu.memory_space<semaphore_mem>> -> memref<1x!tpu.dma_semaphore, #tpu.memory_space<semaphore_mem>>
    %dma_wait3A_355 = tpu.memref_squeeze %dma_wait3A_354 : memref<1x!tpu.dma_semaphore, #tpu.memory_space<semaphore_mem>> -> memref<!tpu.dma_semaphore, #tpu.memory_space<semaphore_mem>>
    tpu.wait_indirect_dma semaphore(%dma_wait3A_355 : memref<!tpu.dma_semaphore, #tpu.memory_space<semaphore_mem>>) src(%dma_wait3A_347 : memref<128x16xf32, #tpu.memory_space<vmem>>) dst(%dma_wait3A_353 : memref<10240x16xf32, #tpu.memory_space<vmem_shared>>)
    %dma_wait3A_356 = arith.constant 3 : i32
    %dma_wait3A_357 = arith.constant 0 : i32
    %dma_wait3A_358 = arith.constant 3 : i32
    %dma_wait3A_359 = arith.constant 0 : i32
    %dma_wait3A_360 = arith.constant 0 : i32
    %dma_wait3A_361 = tpu.memref_slice %arg11[%dma_wait3A_356, %dma_wait3A_359, %dma_wait3A_360] : memref<4x128x16xf32, #tpu.memory_space<vmem>> -> memref<1x128x16xf32, #tpu.memory_space<vmem>>
    %dma_wait3A_362 = tpu.memref_squeeze %dma_wait3A_361 : memref<1x128x16xf32, #tpu.memory_space<vmem>> -> memref<128x16xf32, #tpu.memory_space<vmem>>
    %dma_wait3A_363 = arith.constant 0 : i32
    %dma_wait3A_364 = tpu.memref_slice %arg10[%dma_wait3A_357, %dma_wait3A_363] : memref<157x128xi32, #tpu.memory_space<vmem>> -> memref<1x128xi32, #tpu.memory_space<vmem>>
    %dma_wait3A_365 = tpu.memref_squeeze %dma_wait3A_364 : memref<1x128xi32, #tpu.memory_space<vmem>> -> memref<128xi32, #tpu.memory_space<vmem>>
    %dma_wait3A_366 = arith.constant 0 : i32
    %dma_wait3A_367 = arith.constant 0 : i32
    %dma_wait3A_368 = tpu.memref_slice %arg13[%dma_wait3A_366, %dma_wait3A_367] : memref<10240x16xf32, #tpu.memory_space<vmem_shared>> -> memref<10240x16xf32, #tpu.memory_space<vmem_shared>>
    %dma_wait3A_369 = tpu.memref_slice %arg15[%dma_wait3A_358] : memref<4x!tpu.dma_semaphore, #tpu.memory_space<semaphore_mem>> -> memref<1x!tpu.dma_semaphore, #tpu.memory_space<semaphore_mem>>
    %dma_wait3A_370 = tpu.memref_squeeze %dma_wait3A_369 : memref<1x!tpu.dma_semaphore, #tpu.memory_space<semaphore_mem>> -> memref<!tpu.dma_semaphore, #tpu.memory_space<semaphore_mem>>
    tpu.wait_indirect_dma semaphore(%dma_wait3A_370 : memref<!tpu.dma_semaphore, #tpu.memory_space<semaphore_mem>>) src(%dma_wait3A_362 : memref<128x16xf32, #tpu.memory_space<vmem>>) dst(%dma_wait3A_368 : memref<10240x16xf32, #tpu.memory_space<vmem_shared>>)
    %dma_wait3A_371 = arith.constant 0 : i32
    %dma_wait3A_372 = arith.constant 0 : i32
    %dma_wait3A_373 = arith.constant 0 : i32
    %dma_wait3A_374 = arith.constant 0 : i32
    %dma_wait3A_375 = arith.constant 0 : i32
    %dma_wait3A_376 = tpu.memref_slice %arg11[%dma_wait3A_371, %dma_wait3A_374, %dma_wait3A_375] : memref<4x128x16xf32, #tpu.memory_space<vmem>> -> memref<1x128x16xf32, #tpu.memory_space<vmem>>
    %dma_wait3A_377 = tpu.memref_squeeze %dma_wait3A_376 : memref<1x128x16xf32, #tpu.memory_space<vmem>> -> memref<128x16xf32, #tpu.memory_space<vmem>>
    %dma_wait3A_378 = arith.constant 0 : i32
    %dma_wait3A_379 = tpu.memref_slice %arg10[%dma_wait3A_372, %dma_wait3A_378] : memref<157x128xi32, #tpu.memory_space<vmem>> -> memref<1x128xi32, #tpu.memory_space<vmem>>
    %dma_wait3A_380 = tpu.memref_squeeze %dma_wait3A_379 : memref<1x128xi32, #tpu.memory_space<vmem>> -> memref<128xi32, #tpu.memory_space<vmem>>
    %dma_wait3A_381 = arith.constant 0 : i32
    %dma_wait3A_382 = arith.constant 0 : i32
    %dma_wait3A_383 = tpu.memref_slice %arg13[%dma_wait3A_381, %dma_wait3A_382] : memref<10240x16xf32, #tpu.memory_space<vmem_shared>> -> memref<10240x16xf32, #tpu.memory_space<vmem_shared>>
    %dma_wait3A_384 = tpu.memref_slice %arg15[%dma_wait3A_373] : memref<4x!tpu.dma_semaphore, #tpu.memory_space<semaphore_mem>> -> memref<1x!tpu.dma_semaphore, #tpu.memory_space<semaphore_mem>>
    %dma_wait3A_385 = tpu.memref_squeeze %dma_wait3A_384 : memref<1x!tpu.dma_semaphore, #tpu.memory_space<semaphore_mem>> -> memref<!tpu.dma_semaphore, #tpu.memory_space<semaphore_mem>>
    tpu.wait_indirect_dma semaphore(%dma_wait3A_385 : memref<!tpu.dma_semaphore, #tpu.memory_space<semaphore_mem>>) src(%dma_wait3A_377 : memref<128x16xf32, #tpu.memory_space<vmem>>) dst(%dma_wait3A_383 : memref<10240x16xf32, #tpu.memory_space<vmem_shared>>)
    %barrier3A_386 = arith.constant 0 : index
    tpu.barrier barrier_id(%barrier3A_386)
    %add3A_387 = arith.constant 0 : i32
    %add3A_388 = arith.addi %multiple_of3A, %add3A_387 : i32
    %add3A_389 = arith.constant 0 : i32
    %add3A_390 = arith.addi %multiple_of3A, %add3A_389 : i32
    %mul3A_391 = arith.constant 16 : i32
    %mul3A_392 = arith.muli %add3A_269, %mul3A_391 : i32
    "tpu.region"() ({
      %run_scoped3A = tpu.sem_alloc : memref<!tpu.dma_semaphore, #tpu.memory_space<semaphore_mem>>
      %dma_start3A_536 = tpu.memref_slice %arg7[%add3A_390, %mul3A_392] : memref<10240x128xf32, #tpu.memory_space<hbm>> -> memref<320x16xf32, #tpu.memory_space<hbm>>
      %dma_start3A_537 = arith.constant 0 : i32
      %dma_start3A_538 = tpu.memref_slice %arg13[%add3A_388, %dma_start3A_537] : memref<10240x16xf32, #tpu.memory_space<vmem_shared>> -> memref<320x16xf32, #tpu.memory_space<vmem_shared>>
      tpu.enqueue_dma source(%dma_start3A_538 : memref<320x16xf32, #tpu.memory_space<vmem_shared>>) target(%dma_start3A_536 : memref<320x16xf32, #tpu.memory_space<hbm>>) target_semaphore(%run_scoped3A : memref<!tpu.dma_semaphore, #tpu.memory_space<semaphore_mem>>)
      %dma_wait3A_539 = tpu.memref_slice %arg7[%add3A_390, %mul3A_392] : memref<10240x128xf32, #tpu.memory_space<hbm>> -> memref<320x16xf32, #tpu.memory_space<hbm>>
      %dma_wait3A_540 = arith.constant 0 : i32
      %dma_wait3A_541 = tpu.memref_slice %arg13[%add3A_388, %dma_wait3A_540] : memref<10240x16xf32, #tpu.memory_space<vmem_shared>> -> memref<320x16xf32, #tpu.memory_space<vmem_shared>>
      tpu.wait_dma2 semaphore(%run_scoped3A : memref<!tpu.dma_semaphore, #tpu.memory_space<semaphore_mem>>) src(%dma_wait3A_541 : memref<320x16xf32, #tpu.memory_space<vmem_shared>>) dst(%dma_wait3A_539 : memref<320x16xf32, #tpu.memory_space<hbm>>)
      tpu.yield
    }) : () -> ()
    %add3A_393 = arith.constant 320 : i32
    %add3A_394 = arith.addi %multiple_of3A, %add3A_393 : i32
    %add3A_395 = arith.constant 320 : i32
    %add3A_396 = arith.addi %multiple_of3A, %add3A_395 : i32
    %mul3A_397 = arith.constant 16 : i32
    %mul3A_398 = arith.muli %add3A_269, %mul3A_397 : i32
    "tpu.region"() ({
      %run_scoped3A = tpu.sem_alloc : memref<!tpu.dma_semaphore, #tpu.memory_space<semaphore_mem>>
      %dma_start3A_536 = tpu.memref_slice %arg7[%add3A_396, %mul3A_398] : memref<10240x128xf32, #tpu.memory_space<hbm>> -> memref<320x16xf32, #tpu.memory_space<hbm>>
      %dma_start3A_537 = arith.constant 0 : i32
      %dma_start3A_538 = tpu.memref_slice %arg13[%add3A_394, %dma_start3A_537] : memref<10240x16xf32, #tpu.memory_space<vmem_shared>> -> memref<320x16xf32, #tpu.memory_space<vmem_shared>>
      tpu.enqueue_dma source(%dma_start3A_538 : memref<320x16xf32, #tpu.memory_space<vmem_shared>>) target(%dma_start3A_536 : memref<320x16xf32, #tpu.memory_space<hbm>>) target_semaphore(%run_scoped3A : memref<!tpu.dma_semaphore, #tpu.memory_space<semaphore_mem>>)
      %dma_wait3A_539 = tpu.memref_slice %arg7[%add3A_396, %mul3A_398] : memref<10240x128xf32, #tpu.memory_space<hbm>> -> memref<320x16xf32, #tpu.memory_space<hbm>>
      %dma_wait3A_540 = arith.constant 0 : i32
      %dma_wait3A_541 = tpu.memref_slice %arg13[%add3A_394, %dma_wait3A_540] : memref<10240x16xf32, #tpu.memory_space<vmem_shared>> -> memref<320x16xf32, #tpu.memory_space<vmem_shared>>
      tpu.wait_dma2 semaphore(%run_scoped3A : memref<!tpu.dma_semaphore, #tpu.memory_space<semaphore_mem>>) src(%dma_wait3A_541 : memref<320x16xf32, #tpu.memory_space<vmem_shared>>) dst(%dma_wait3A_539 : memref<320x16xf32, #tpu.memory_space<hbm>>)
      tpu.yield
    }) : () -> ()
    %barrier3A_399 = arith.constant 0 : index
    tpu.barrier barrier_id(%barrier3A_399)
    %mul3A_400 = arith.constant 4 : i32
    %mul3A_401 = arith.muli %arg0, %mul3A_400 : i32
    %add3A_402 = arith.constant 3 : i32
    %add3A_403 = arith.addi %mul3A_401, %add3A_402 : i32
    %add3A_404 = arith.constant 0 : i32
    %add3A_405 = arith.addi %multiple_of3A, %add3A_404 : i32
    "tpu.region"() ({
      %run_scoped3A = tpu.sem_alloc : memref<!tpu.dma_semaphore, #tpu.memory_space<semaphore_mem>>
      %dma_start3A_536 = arith.constant 0 : i32
      %dma_start3A_537 = tpu.memref_slice %arg13[%add3A_405, %dma_start3A_536] : memref<10240x16xf32, #tpu.memory_space<vmem_shared>> -> memref<320x16xf32, #tpu.memory_space<vmem_shared>>
      tpu.enqueue_dma source(%arg5 : memref<320x16xf32, #tpu.memory_space<hbm>>) target(%dma_start3A_537 : memref<320x16xf32, #tpu.memory_space<vmem_shared>>) target_semaphore(%run_scoped3A : memref<!tpu.dma_semaphore, #tpu.memory_space<semaphore_mem>>)
      %dma_wait3A_538 = arith.constant 0 : i32
      %dma_wait3A_539 = tpu.memref_slice %arg13[%add3A_405, %dma_wait3A_538] : memref<10240x16xf32, #tpu.memory_space<vmem_shared>> -> memref<320x16xf32, #tpu.memory_space<vmem_shared>>
      tpu.wait_dma2 semaphore(%run_scoped3A : memref<!tpu.dma_semaphore, #tpu.memory_space<semaphore_mem>>) src(%arg5 : memref<320x16xf32, #tpu.memory_space<hbm>>) dst(%dma_wait3A_539 : memref<320x16xf32, #tpu.memory_space<vmem_shared>>)
      tpu.yield
    }) : () -> ()
    %add3A_406 = arith.constant 320 : i32
    %add3A_407 = arith.addi %multiple_of3A, %add3A_406 : i32
    "tpu.region"() ({
      %run_scoped3A = tpu.sem_alloc : memref<!tpu.dma_semaphore, #tpu.memory_space<semaphore_mem>>
      %dma_start3A_536 = arith.constant 0 : i32
      %dma_start3A_537 = tpu.memref_slice %arg13[%add3A_407, %dma_start3A_536] : memref<10240x16xf32, #tpu.memory_space<vmem_shared>> -> memref<320x16xf32, #tpu.memory_space<vmem_shared>>
      tpu.enqueue_dma source(%arg5 : memref<320x16xf32, #tpu.memory_space<hbm>>) target(%dma_start3A_537 : memref<320x16xf32, #tpu.memory_space<vmem_shared>>) target_semaphore(%run_scoped3A : memref<!tpu.dma_semaphore, #tpu.memory_space<semaphore_mem>>)
      %dma_wait3A_538 = arith.constant 0 : i32
      %dma_wait3A_539 = tpu.memref_slice %arg13[%add3A_407, %dma_wait3A_538] : memref<10240x16xf32, #tpu.memory_space<vmem_shared>> -> memref<320x16xf32, #tpu.memory_space<vmem_shared>>
      tpu.wait_dma2 semaphore(%run_scoped3A : memref<!tpu.dma_semaphore, #tpu.memory_space<semaphore_mem>>) src(%arg5 : memref<320x16xf32, #tpu.memory_space<hbm>>) dst(%dma_wait3A_539 : memref<320x16xf32, #tpu.memory_space<vmem_shared>>)
      tpu.yield
    }) : () -> ()
    "tpu.region"() ({
      %run_scoped3A = tpu.sem_alloc : memref<!tpu.dma_semaphore, #tpu.memory_space<semaphore_mem>>
      %dma_start3A_536 = arith.constant 0 : i32
      %dma_start3A_537 = tpu.memref_slice %arg3[%add3A_403, %mul3A_2, %dma_start3A_536] : memref<8x2512x128xi32, #tpu.memory_space<hbm>> -> memref<1x157x128xi32, #tpu.memory_space<hbm>>
      %dma_start3A_538 = tpu.memref_squeeze %dma_start3A_537 : memref<1x157x128xi32, #tpu.memory_space<hbm>> -> memref<157x128xi32, #tpu.memory_space<hbm>>
      %dma_start3A_539 = arith.constant 0 : i32
      %dma_start3A_540 = tpu.memref_slice %arg3[%add3A_403, %mul3A_2, %dma_start3A_539] : memref<8x2512x128xi32, #tpu.memory_space<hbm>> -> memref<1x157x128xi32, #tpu.memory_space<hbm>>
      %dma_start3A_541 = tpu.memref_squeeze %dma_start3A_540 : memref<1x157x128xi32, #tpu.memory_space<hbm>> -> memref<157x128xi32, #tpu.memory_space<hbm>>
      tpu.enqueue_dma source(%dma_start3A_541 : memref<157x128xi32, #tpu.memory_space<hbm>>) target(%arg9 : memref<157x128xi32, #tpu.memory_space<vmem>>) target_semaphore(%run_scoped3A : memref<!tpu.dma_semaphore, #tpu.memory_space<semaphore_mem>>)
      %dma_wait3A_542 = arith.constant 0 : i32
      %dma_wait3A_543 = tpu.memref_slice %arg3[%add3A_403, %mul3A_2, %dma_wait3A_542] : memref<8x2512x128xi32, #tpu.memory_space<hbm>> -> memref<1x157x128xi32, #tpu.memory_space<hbm>>
      %dma_wait3A_544 = tpu.memref_squeeze %dma_wait3A_543 : memref<1x157x128xi32, #tpu.memory_space<hbm>> -> memref<157x128xi32, #tpu.memory_space<hbm>>
      %dma_wait3A_545 = arith.constant 0 : i32
      %dma_wait3A_546 = tpu.memref_slice %arg3[%add3A_403, %mul3A_2, %dma_wait3A_545] : memref<8x2512x128xi32, #tpu.memory_space<hbm>> -> memref<1x157x128xi32, #tpu.memory_space<hbm>>
      %dma_wait3A_547 = tpu.memref_squeeze %dma_wait3A_546 : memref<1x157x128xi32, #tpu.memory_space<hbm>> -> memref<157x128xi32, #tpu.memory_space<hbm>>
      tpu.wait_dma2 semaphore(%run_scoped3A : memref<!tpu.dma_semaphore, #tpu.memory_space<semaphore_mem>>) src(%dma_wait3A_547 : memref<157x128xi32, #tpu.memory_space<hbm>>) dst(%arg9 : memref<157x128xi32, #tpu.memory_space<vmem>>)
      tpu.yield
    }) : () -> ()
    %barrier3A_408 = arith.constant 0 : index
    tpu.barrier barrier_id(%barrier3A_408)
    %dma_start3A_409 = arith.constant 0 : i32
    %dma_start3A_410 = arith.constant 0 : i32
    %dma_start3A_411 = arith.constant 0 : i32
    %dma_start3A_412 = arith.constant 0 : i32
    %dma_start3A_413 = arith.constant 0 : i32
    %dma_start3A_414 = tpu.memref_slice %arg11[%dma_start3A_410, %dma_start3A_412, %dma_start3A_413] : memref<4x128x16xf32, #tpu.memory_space<vmem>> -> memref<1x128x16xf32, #tpu.memory_space<vmem>>
    %dma_start3A_415 = tpu.memref_squeeze %dma_start3A_414 : memref<1x128x16xf32, #tpu.memory_space<vmem>> -> memref<128x16xf32, #tpu.memory_space<vmem>>
    %dma_start3A_416 = arith.constant 0 : i32
    %dma_start3A_417 = tpu.memref_slice %arg9[%dma_start3A_409, %dma_start3A_416] : memref<157x128xi32, #tpu.memory_space<vmem>> -> memref<1x128xi32, #tpu.memory_space<vmem>>
    %dma_start3A_418 = tpu.memref_squeeze %dma_start3A_417 : memref<1x128xi32, #tpu.memory_space<vmem>> -> memref<128xi32, #tpu.memory_space<vmem>>
    %dma_start3A_419 = arith.constant 0 : i32
    %dma_start3A_420 = arith.constant 0 : i32
    %dma_start3A_421 = tpu.memref_slice %arg2[%dma_start3A_419, %dma_start3A_420] : memref<80000x16xf32, #tpu.memory_space<hbm>> -> memref<80000x16xf32, #tpu.memory_space<hbm>>
    %dma_start3A_422 = tpu.memref_slice %arg14[%dma_start3A_411] : memref<4x!tpu.dma_semaphore, #tpu.memory_space<semaphore_mem>> -> memref<1x!tpu.dma_semaphore, #tpu.memory_space<semaphore_mem>>
    %dma_start3A_423 = tpu.memref_squeeze %dma_start3A_422 : memref<1x!tpu.dma_semaphore, #tpu.memory_space<semaphore_mem>> -> memref<!tpu.dma_semaphore, #tpu.memory_space<semaphore_mem>>
    tpu.enqueue_indirect_dma source(%dma_start3A_421 : memref<80000x16xf32, #tpu.memory_space<hbm>>) target(%dma_start3A_415 : memref<128x16xf32, #tpu.memory_space<vmem>>) offsets(%dma_start3A_418 : memref<128xi32, #tpu.memory_space<vmem>>) semaphore(%dma_start3A_423 : memref<!tpu.dma_semaphore, #tpu.memory_space<semaphore_mem>>)
    %dma_start3A_424 = arith.constant 1 : i32
    %dma_start3A_425 = arith.constant 1 : i32
    %dma_start3A_426 = arith.constant 1 : i32
    %dma_start3A_427 = arith.constant 0 : i32
    %dma_start3A_428 = arith.constant 0 : i32
    %dma_start3A_429 = tpu.memref_slice %arg11[%dma_start3A_425, %dma_start3A_427, %dma_start3A_428] : memref<4x128x16xf32, #tpu.memory_space<vmem>> -> memref<1x128x16xf32, #tpu.memory_space<vmem>>
    %dma_start3A_430 = tpu.memref_squeeze %dma_start3A_429 : memref<1x128x16xf32, #tpu.memory_space<vmem>> -> memref<128x16xf32, #tpu.memory_space<vmem>>
    %dma_start3A_431 = arith.constant 0 : i32
    %dma_start3A_432 = tpu.memref_slice %arg9[%dma_start3A_424, %dma_start3A_431] : memref<157x128xi32, #tpu.memory_space<vmem>> -> memref<1x128xi32, #tpu.memory_space<vmem>>
    %dma_start3A_433 = tpu.memref_squeeze %dma_start3A_432 : memref<1x128xi32, #tpu.memory_space<vmem>> -> memref<128xi32, #tpu.memory_space<vmem>>
    %dma_start3A_434 = arith.constant 0 : i32
    %dma_start3A_435 = arith.constant 0 : i32
    %dma_start3A_436 = tpu.memref_slice %arg2[%dma_start3A_434, %dma_start3A_435] : memref<80000x16xf32, #tpu.memory_space<hbm>> -> memref<80000x16xf32, #tpu.memory_space<hbm>>
    %dma_start3A_437 = tpu.memref_slice %arg14[%dma_start3A_426] : memref<4x!tpu.dma_semaphore, #tpu.memory_space<semaphore_mem>> -> memref<1x!tpu.dma_semaphore, #tpu.memory_space<semaphore_mem>>
    %dma_start3A_438 = tpu.memref_squeeze %dma_start3A_437 : memref<1x!tpu.dma_semaphore, #tpu.memory_space<semaphore_mem>> -> memref<!tpu.dma_semaphore, #tpu.memory_space<semaphore_mem>>
    tpu.enqueue_indirect_dma source(%dma_start3A_436 : memref<80000x16xf32, #tpu.memory_space<hbm>>) target(%dma_start3A_430 : memref<128x16xf32, #tpu.memory_space<vmem>>) offsets(%dma_start3A_433 : memref<128xi32, #tpu.memory_space<vmem>>) semaphore(%dma_start3A_438 : memref<!tpu.dma_semaphore, #tpu.memory_space<semaphore_mem>>)
    %dma_start3A_439 = arith.constant 2 : i32
    %dma_start3A_440 = arith.constant 2 : i32
    %dma_start3A_441 = arith.constant 2 : i32
    %dma_start3A_442 = arith.constant 0 : i32
    %dma_start3A_443 = arith.constant 0 : i32
    %dma_start3A_444 = tpu.memref_slice %arg11[%dma_start3A_440, %dma_start3A_442, %dma_start3A_443] : memref<4x128x16xf32, #tpu.memory_space<vmem>> -> memref<1x128x16xf32, #tpu.memory_space<vmem>>
    %dma_start3A_445 = tpu.memref_squeeze %dma_start3A_444 : memref<1x128x16xf32, #tpu.memory_space<vmem>> -> memref<128x16xf32, #tpu.memory_space<vmem>>
    %dma_start3A_446 = arith.constant 0 : i32
    %dma_start3A_447 = tpu.memref_slice %arg9[%dma_start3A_439, %dma_start3A_446] : memref<157x128xi32, #tpu.memory_space<vmem>> -> memref<1x128xi32, #tpu.memory_space<vmem>>
    %dma_start3A_448 = tpu.memref_squeeze %dma_start3A_447 : memref<1x128xi32, #tpu.memory_space<vmem>> -> memref<128xi32, #tpu.memory_space<vmem>>
    %dma_start3A_449 = arith.constant 0 : i32
    %dma_start3A_450 = arith.constant 0 : i32
    %dma_start3A_451 = tpu.memref_slice %arg2[%dma_start3A_449, %dma_start3A_450] : memref<80000x16xf32, #tpu.memory_space<hbm>> -> memref<80000x16xf32, #tpu.memory_space<hbm>>
    %dma_start3A_452 = tpu.memref_slice %arg14[%dma_start3A_441] : memref<4x!tpu.dma_semaphore, #tpu.memory_space<semaphore_mem>> -> memref<1x!tpu.dma_semaphore, #tpu.memory_space<semaphore_mem>>
    %dma_start3A_453 = tpu.memref_squeeze %dma_start3A_452 : memref<1x!tpu.dma_semaphore, #tpu.memory_space<semaphore_mem>> -> memref<!tpu.dma_semaphore, #tpu.memory_space<semaphore_mem>>
    tpu.enqueue_indirect_dma source(%dma_start3A_451 : memref<80000x16xf32, #tpu.memory_space<hbm>>) target(%dma_start3A_445 : memref<128x16xf32, #tpu.memory_space<vmem>>) offsets(%dma_start3A_448 : memref<128xi32, #tpu.memory_space<vmem>>) semaphore(%dma_start3A_453 : memref<!tpu.dma_semaphore, #tpu.memory_space<semaphore_mem>>)
    %scan3A_454 = arith.constant 0 : i32
    %scan3A_455 = arith.constant 0 : i32
    %scan3A_456 = arith.constant 157 : i32
    %scan3A_457 = arith.addi %scan3A_455, %scan3A_456 : i32
    %scan3A_458 = arith.constant 1 : i32
    scf.for %scan3A_536 = %scan3A_455 to %scan3A_457 step %scan3A_458  : i32 {
      %rem3A = arith.constant 4 : i32
      %rem3A_537 = arith.remsi %scan3A_536, %rem3A : i32
      %add3A_538 = arith.constant 3 : i32
      %add3A_539 = arith.addi %scan3A_536, %add3A_538 : i32
      %lt3A = arith.constant 157 : i32
      %lt3A_540 = arith.cmpi slt, %add3A_539, %lt3A : i32
      %convert_element_type3A_541 = arith.extui %lt3A_540 : i1 to i32
      %cond3A_542 = arith.constant 0 : i32
      %cond3A_543 = arith.cmpi ne, %convert_element_type3A_541, %cond3A_542 : i32
      scf.if %cond3A_543 {
        %add3A_569 = arith.constant 3 : i32
        %add3A_570 = arith.addi %scan3A_536, %add3A_569 : i32
        %rem3A_571 = arith.constant 4 : i32
        %rem3A_572 = arith.remsi %add3A_570, %rem3A_571 : i32
        %ge3A = arith.constant 1 : i32
        %ge3A_573 = arith.cmpi sge, %scan3A_536, %ge3A : i32
        %convert_element_type3A_574 = arith.extui %ge3A_573 : i1 to i32
        %cond3A_575 = arith.constant 0 : i32
        %cond3A_576 = arith.cmpi ne, %convert_element_type3A_574, %cond3A_575 : i32
        scf.if %cond3A_576 {
          %dma_wait3A_591 = arith.constant 0 : i32
          %dma_wait3A_592 = arith.constant 0 : i32
          %dma_wait3A_593 = arith.constant 0 : i32
          %dma_wait3A_594 = tpu.memref_slice %arg11[%rem3A_572, %dma_wait3A_592, %dma_wait3A_593] : memref<4x128x16xf32, #tpu.memory_space<vmem>> -> memref<1x128x16xf32, #tpu.memory_space<vmem>>
          %dma_wait3A_595 = tpu.memref_squeeze %dma_wait3A_594 : memref<1x128x16xf32, #tpu.memory_space<vmem>> -> memref<128x16xf32, #tpu.memory_space<vmem>>
          %dma_wait3A_596 = arith.constant 0 : i32
          %dma_wait3A_597 = tpu.memref_slice %arg10[%dma_wait3A_591, %dma_wait3A_596] : memref<157x128xi32, #tpu.memory_space<vmem>> -> memref<1x128xi32, #tpu.memory_space<vmem>>
          %dma_wait3A_598 = tpu.memref_squeeze %dma_wait3A_597 : memref<1x128xi32, #tpu.memory_space<vmem>> -> memref<128xi32, #tpu.memory_space<vmem>>
          %dma_wait3A_599 = arith.constant 0 : i32
          %dma_wait3A_600 = arith.constant 0 : i32
          %dma_wait3A_601 = tpu.memref_slice %arg13[%dma_wait3A_599, %dma_wait3A_600] : memref<10240x16xf32, #tpu.memory_space<vmem_shared>> -> memref<10240x16xf32, #tpu.memory_space<vmem_shared>>
          %dma_wait3A_602 = tpu.memref_slice %arg15[%rem3A_572] : memref<4x!tpu.dma_semaphore, #tpu.memory_space<semaphore_mem>> -> memref<1x!tpu.dma_semaphore, #tpu.memory_space<semaphore_mem>>
          %dma_wait3A_603 = tpu.memref_squeeze %dma_wait3A_602 : memref<1x!tpu.dma_semaphore, #tpu.memory_space<semaphore_mem>> -> memref<!tpu.dma_semaphore, #tpu.memory_space<semaphore_mem>>
          tpu.wait_indirect_dma semaphore(%dma_wait3A_603 : memref<!tpu.dma_semaphore, #tpu.memory_space<semaphore_mem>>) src(%dma_wait3A_595 : memref<128x16xf32, #tpu.memory_space<vmem>>) dst(%dma_wait3A_601 : memref<10240x16xf32, #tpu.memory_space<vmem_shared>>)
        } else {
        }
        %add3A_577 = arith.constant 3 : i32
        %add3A_578 = arith.addi %scan3A_536, %add3A_577 : i32
        %dma_start3A_579 = arith.constant 0 : i32
        %dma_start3A_580 = arith.constant 0 : i32
        %dma_start3A_581 = tpu.memref_slice %arg11[%rem3A_572, %dma_start3A_579, %dma_start3A_580] : memref<4x128x16xf32, #tpu.memory_space<vmem>> -> memref<1x128x16xf32, #tpu.memory_space<vmem>>
        %dma_start3A_582 = tpu.memref_squeeze %dma_start3A_581 : memref<1x128x16xf32, #tpu.memory_space<vmem>> -> memref<128x16xf32, #tpu.memory_space<vmem>>
        %dma_start3A_583 = arith.constant 0 : i32
        %dma_start3A_584 = tpu.memref_slice %arg9[%add3A_578, %dma_start3A_583] : memref<157x128xi32, #tpu.memory_space<vmem>> -> memref<1x128xi32, #tpu.memory_space<vmem>>
        %dma_start3A_585 = tpu.memref_squeeze %dma_start3A_584 : memref<1x128xi32, #tpu.memory_space<vmem>> -> memref<128xi32, #tpu.memory_space<vmem>>
        %dma_start3A_586 = arith.constant 0 : i32
        %dma_start3A_587 = arith.constant 0 : i32
        %dma_start3A_588 = tpu.memref_slice %arg2[%dma_start3A_586, %dma_start3A_587] : memref<80000x16xf32, #tpu.memory_space<hbm>> -> memref<80000x16xf32, #tpu.memory_space<hbm>>
        %dma_start3A_589 = tpu.memref_slice %arg14[%rem3A_572] : memref<4x!tpu.dma_semaphore, #tpu.memory_space<semaphore_mem>> -> memref<1x!tpu.dma_semaphore, #tpu.memory_space<semaphore_mem>>
        %dma_start3A_590 = tpu.memref_squeeze %dma_start3A_589 : memref<1x!tpu.dma_semaphore, #tpu.memory_space<semaphore_mem>> -> memref<!tpu.dma_semaphore, #tpu.memory_space<semaphore_mem>>
        tpu.enqueue_indirect_dma source(%dma_start3A_588 : memref<80000x16xf32, #tpu.memory_space<hbm>>) target(%dma_start3A_582 : memref<128x16xf32, #tpu.memory_space<vmem>>) offsets(%dma_start3A_585 : memref<128xi32, #tpu.memory_space<vmem>>) semaphore(%dma_start3A_590 : memref<!tpu.dma_semaphore, #tpu.memory_space<semaphore_mem>>)
      } else {
      }
      %dma_wait3A_544 = arith.constant 0 : i32
      %dma_wait3A_545 = arith.constant 0 : i32
      %dma_wait3A_546 = arith.constant 0 : i32
      %dma_wait3A_547 = tpu.memref_slice %arg11[%rem3A_537, %dma_wait3A_545, %dma_wait3A_546] : memref<4x128x16xf32, #tpu.memory_space<vmem>> -> memref<1x128x16xf32, #tpu.memory_space<vmem>>
      %dma_wait3A_548 = tpu.memref_squeeze %dma_wait3A_547 : memref<1x128x16xf32, #tpu.memory_space<vmem>> -> memref<128x16xf32, #tpu.memory_space<vmem>>
      %dma_wait3A_549 = arith.constant 0 : i32
      %dma_wait3A_550 = tpu.memref_slice %arg9[%dma_wait3A_544, %dma_wait3A_549] : memref<157x128xi32, #tpu.memory_space<vmem>> -> memref<1x128xi32, #tpu.memory_space<vmem>>
      %dma_wait3A_551 = tpu.memref_squeeze %dma_wait3A_550 : memref<1x128xi32, #tpu.memory_space<vmem>> -> memref<128xi32, #tpu.memory_space<vmem>>
      %dma_wait3A_552 = arith.constant 0 : i32
      %dma_wait3A_553 = arith.constant 0 : i32
      %dma_wait3A_554 = tpu.memref_slice %arg2[%dma_wait3A_552, %dma_wait3A_553] : memref<80000x16xf32, #tpu.memory_space<hbm>> -> memref<80000x16xf32, #tpu.memory_space<hbm>>
      %dma_wait3A_555 = tpu.memref_slice %arg14[%rem3A_537] : memref<4x!tpu.dma_semaphore, #tpu.memory_space<semaphore_mem>> -> memref<1x!tpu.dma_semaphore, #tpu.memory_space<semaphore_mem>>
      %dma_wait3A_556 = tpu.memref_squeeze %dma_wait3A_555 : memref<1x!tpu.dma_semaphore, #tpu.memory_space<semaphore_mem>> -> memref<!tpu.dma_semaphore, #tpu.memory_space<semaphore_mem>>
      tpu.wait_indirect_dma semaphore(%dma_wait3A_556 : memref<!tpu.dma_semaphore, #tpu.memory_space<semaphore_mem>>) src(%dma_wait3A_554 : memref<80000x16xf32, #tpu.memory_space<hbm>>) dst(%dma_wait3A_548 : memref<128x16xf32, #tpu.memory_space<vmem>>)
      %dma_start3A_557 = arith.constant 0 : i32
      %dma_start3A_558 = arith.constant 0 : i32
      %dma_start3A_559 = tpu.memref_slice %arg11[%rem3A_537, %dma_start3A_557, %dma_start3A_558] : memref<4x128x16xf32, #tpu.memory_space<vmem>> -> memref<1x128x16xf32, #tpu.memory_space<vmem>>
      %dma_start3A_560 = tpu.memref_squeeze %dma_start3A_559 : memref<1x128x16xf32, #tpu.memory_space<vmem>> -> memref<128x16xf32, #tpu.memory_space<vmem>>
      %dma_start3A_561 = arith.constant 0 : i32
      %dma_start3A_562 = tpu.memref_slice %arg10[%scan3A_536, %dma_start3A_561] : memref<157x128xi32, #tpu.memory_space<vmem>> -> memref<1x128xi32, #tpu.memory_space<vmem>>
      %dma_start3A_563 = tpu.memref_squeeze %dma_start3A_562 : memref<1x128xi32, #tpu.memory_space<vmem>> -> memref<128xi32, #tpu.memory_space<vmem>>
      %dma_start3A_564 = arith.constant 0 : i32
      %dma_start3A_565 = arith.constant 0 : i32
      %dma_start3A_566 = tpu.memref_slice %arg13[%dma_start3A_564, %dma_start3A_565] : memref<10240x16xf32, #tpu.memory_space<vmem_shared>> -> memref<10240x16xf32, #tpu.memory_space<vmem_shared>>
      %dma_start3A_567 = tpu.memref_slice %arg15[%rem3A_537] : memref<4x!tpu.dma_semaphore, #tpu.memory_space<semaphore_mem>> -> memref<1x!tpu.dma_semaphore, #tpu.memory_space<semaphore_mem>>
      %dma_start3A_568 = tpu.memref_squeeze %dma_start3A_567 : memref<1x!tpu.dma_semaphore, #tpu.memory_space<semaphore_mem>> -> memref<!tpu.dma_semaphore, #tpu.memory_space<semaphore_mem>>
      tpu.enqueue_indirect_dma source(%dma_start3A_560 : memref<128x16xf32, #tpu.memory_space<vmem>>) target(%dma_start3A_566 : memref<10240x16xf32, #tpu.memory_space<vmem_shared>>) offsets(%dma_start3A_563 : memref<128xi32, #tpu.memory_space<vmem>>) semaphore(%dma_start3A_568 : memref<!tpu.dma_semaphore, #tpu.memory_space<semaphore_mem>>) {add = true}
    }
    %scan3A_459 = arith.constant 157 : i32
    %dma_wait3A_460 = arith.constant 1 : i32
    %dma_wait3A_461 = arith.constant 0 : i32
    %dma_wait3A_462 = arith.constant 1 : i32
    %dma_wait3A_463 = arith.constant 0 : i32
    %dma_wait3A_464 = arith.constant 0 : i32
    %dma_wait3A_465 = tpu.memref_slice %arg11[%dma_wait3A_460, %dma_wait3A_463, %dma_wait3A_464] : memref<4x128x16xf32, #tpu.memory_space<vmem>> -> memref<1x128x16xf32, #tpu.memory_space<vmem>>
    %dma_wait3A_466 = tpu.memref_squeeze %dma_wait3A_465 : memref<1x128x16xf32, #tpu.memory_space<vmem>> -> memref<128x16xf32, #tpu.memory_space<vmem>>
    %dma_wait3A_467 = arith.constant 0 : i32
    %dma_wait3A_468 = tpu.memref_slice %arg10[%dma_wait3A_461, %dma_wait3A_467] : memref<157x128xi32, #tpu.memory_space<vmem>> -> memref<1x128xi32, #tpu.memory_space<vmem>>
    %dma_wait3A_469 = tpu.memref_squeeze %dma_wait3A_468 : memref<1x128xi32, #tpu.memory_space<vmem>> -> memref<128xi32, #tpu.memory_space<vmem>>
    %dma_wait3A_470 = arith.constant 0 : i32
    %dma_wait3A_471 = arith.constant 0 : i32
    %dma_wait3A_472 = tpu.memref_slice %arg13[%dma_wait3A_470, %dma_wait3A_471] : memref<10240x16xf32, #tpu.memory_space<vmem_shared>> -> memref<10240x16xf32, #tpu.memory_space<vmem_shared>>
    %dma_wait3A_473 = tpu.memref_slice %arg15[%dma_wait3A_462] : memref<4x!tpu.dma_semaphore, #tpu.memory_space<semaphore_mem>> -> memref<1x!tpu.dma_semaphore, #tpu.memory_space<semaphore_mem>>
    %dma_wait3A_474 = tpu.memref_squeeze %dma_wait3A_473 : memref<1x!tpu.dma_semaphore, #tpu.memory_space<semaphore_mem>> -> memref<!tpu.dma_semaphore, #tpu.memory_space<semaphore_mem>>
    tpu.wait_indirect_dma semaphore(%dma_wait3A_474 : memref<!tpu.dma_semaphore, #tpu.memory_space<semaphore_mem>>) src(%dma_wait3A_466 : memref<128x16xf32, #tpu.memory_space<vmem>>) dst(%dma_wait3A_472 : memref<10240x16xf32, #tpu.memory_space<vmem_shared>>)
    %dma_wait3A_475 = arith.constant 2 : i32
    %dma_wait3A_476 = arith.constant 0 : i32
    %dma_wait3A_477 = arith.constant 2 : i32
    %dma_wait3A_478 = arith.constant 0 : i32
    %dma_wait3A_479 = arith.constant 0 : i32
    %dma_wait3A_480 = tpu.memref_slice %arg11[%dma_wait3A_475, %dma_wait3A_478, %dma_wait3A_479] : memref<4x128x16xf32, #tpu.memory_space<vmem>> -> memref<1x128x16xf32, #tpu.memory_space<vmem>>
    %dma_wait3A_481 = tpu.memref_squeeze %dma_wait3A_480 : memref<1x128x16xf32, #tpu.memory_space<vmem>> -> memref<128x16xf32, #tpu.memory_space<vmem>>
    %dma_wait3A_482 = arith.constant 0 : i32
    %dma_wait3A_483 = tpu.memref_slice %arg10[%dma_wait3A_476, %dma_wait3A_482] : memref<157x128xi32, #tpu.memory_space<vmem>> -> memref<1x128xi32, #tpu.memory_space<vmem>>
    %dma_wait3A_484 = tpu.memref_squeeze %dma_wait3A_483 : memref<1x128xi32, #tpu.memory_space<vmem>> -> memref<128xi32, #tpu.memory_space<vmem>>
    %dma_wait3A_485 = arith.constant 0 : i32
    %dma_wait3A_486 = arith.constant 0 : i32
    %dma_wait3A_487 = tpu.memref_slice %arg13[%dma_wait3A_485, %dma_wait3A_486] : memref<10240x16xf32, #tpu.memory_space<vmem_shared>> -> memref<10240x16xf32, #tpu.memory_space<vmem_shared>>
    %dma_wait3A_488 = tpu.memref_slice %arg15[%dma_wait3A_477] : memref<4x!tpu.dma_semaphore, #tpu.memory_space<semaphore_mem>> -> memref<1x!tpu.dma_semaphore, #tpu.memory_space<semaphore_mem>>
    %dma_wait3A_489 = tpu.memref_squeeze %dma_wait3A_488 : memref<1x!tpu.dma_semaphore, #tpu.memory_space<semaphore_mem>> -> memref<!tpu.dma_semaphore, #tpu.memory_space<semaphore_mem>>
    tpu.wait_indirect_dma semaphore(%dma_wait3A_489 : memref<!tpu.dma_semaphore, #tpu.memory_space<semaphore_mem>>) src(%dma_wait3A_481 : memref<128x16xf32, #tpu.memory_space<vmem>>) dst(%dma_wait3A_487 : memref<10240x16xf32, #tpu.memory_space<vmem_shared>>)
    %dma_wait3A_490 = arith.constant 3 : i32
    %dma_wait3A_491 = arith.constant 0 : i32
    %dma_wait3A_492 = arith.constant 3 : i32
    %dma_wait3A_493 = arith.constant 0 : i32
    %dma_wait3A_494 = arith.constant 0 : i32
    %dma_wait3A_495 = tpu.memref_slice %arg11[%dma_wait3A_490, %dma_wait3A_493, %dma_wait3A_494] : memref<4x128x16xf32, #tpu.memory_space<vmem>> -> memref<1x128x16xf32, #tpu.memory_space<vmem>>
    %dma_wait3A_496 = tpu.memref_squeeze %dma_wait3A_495 : memref<1x128x16xf32, #tpu.memory_space<vmem>> -> memref<128x16xf32, #tpu.memory_space<vmem>>
    %dma_wait3A_497 = arith.constant 0 : i32
    %dma_wait3A_498 = tpu.memref_slice %arg10[%dma_wait3A_491, %dma_wait3A_497] : memref<157x128xi32, #tpu.memory_space<vmem>> -> memref<1x128xi32, #tpu.memory_space<vmem>>
    %dma_wait3A_499 = tpu.memref_squeeze %dma_wait3A_498 : memref<1x128xi32, #tpu.memory_space<vmem>> -> memref<128xi32, #tpu.memory_space<vmem>>
    %dma_wait3A_500 = arith.constant 0 : i32
    %dma_wait3A_501 = arith.constant 0 : i32
    %dma_wait3A_502 = tpu.memref_slice %arg13[%dma_wait3A_500, %dma_wait3A_501] : memref<10240x16xf32, #tpu.memory_space<vmem_shared>> -> memref<10240x16xf32, #tpu.memory_space<vmem_shared>>
    %dma_wait3A_503 = tpu.memref_slice %arg15[%dma_wait3A_492] : memref<4x!tpu.dma_semaphore, #tpu.memory_space<semaphore_mem>> -> memref<1x!tpu.dma_semaphore, #tpu.memory_space<semaphore_mem>>
    %dma_wait3A_504 = tpu.memref_squeeze %dma_wait3A_503 : memref<1x!tpu.dma_semaphore, #tpu.memory_space<semaphore_mem>> -> memref<!tpu.dma_semaphore, #tpu.memory_space<semaphore_mem>>
    tpu.wait_indirect_dma semaphore(%dma_wait3A_504 : memref<!tpu.dma_semaphore, #tpu.memory_space<semaphore_mem>>) src(%dma_wait3A_496 : memref<128x16xf32, #tpu.memory_space<vmem>>) dst(%dma_wait3A_502 : memref<10240x16xf32, #tpu.memory_space<vmem_shared>>)
    %dma_wait3A_505 = arith.constant 0 : i32
    %dma_wait3A_506 = arith.constant 0 : i32
    %dma_wait3A_507 = arith.constant 0 : i32
    %dma_wait3A_508 = arith.constant 0 : i32
    %dma_wait3A_509 = arith.constant 0 : i32
    %dma_wait3A_510 = tpu.memref_slice %arg11[%dma_wait3A_505, %dma_wait3A_508, %dma_wait3A_509] : memref<4x128x16xf32, #tpu.memory_space<vmem>> -> memref<1x128x16xf32, #tpu.memory_space<vmem>>
    %dma_wait3A_511 = tpu.memref_squeeze %dma_wait3A_510 : memref<1x128x16xf32, #tpu.memory_space<vmem>> -> memref<128x16xf32, #tpu.memory_space<vmem>>
    %dma_wait3A_512 = arith.constant 0 : i32
    %dma_wait3A_513 = tpu.memref_slice %arg10[%dma_wait3A_506, %dma_wait3A_512] : memref<157x128xi32, #tpu.memory_space<vmem>> -> memref<1x128xi32, #tpu.memory_space<vmem>>
    %dma_wait3A_514 = tpu.memref_squeeze %dma_wait3A_513 : memref<1x128xi32, #tpu.memory_space<vmem>> -> memref<128xi32, #tpu.memory_space<vmem>>
    %dma_wait3A_515 = arith.constant 0 : i32
    %dma_wait3A_516 = arith.constant 0 : i32
    %dma_wait3A_517 = tpu.memref_slice %arg13[%dma_wait3A_515, %dma_wait3A_516] : memref<10240x16xf32, #tpu.memory_space<vmem_shared>> -> memref<10240x16xf32, #tpu.memory_space<vmem_shared>>
    %dma_wait3A_518 = tpu.memref_slice %arg15[%dma_wait3A_507] : memref<4x!tpu.dma_semaphore, #tpu.memory_space<semaphore_mem>> -> memref<1x!tpu.dma_semaphore, #tpu.memory_space<semaphore_mem>>
    %dma_wait3A_519 = tpu.memref_squeeze %dma_wait3A_518 : memref<1x!tpu.dma_semaphore, #tpu.memory_space<semaphore_mem>> -> memref<!tpu.dma_semaphore, #tpu.memory_space<semaphore_mem>>
    tpu.wait_indirect_dma semaphore(%dma_wait3A_519 : memref<!tpu.dma_semaphore, #tpu.memory_space<semaphore_mem>>) src(%dma_wait3A_511 : memref<128x16xf32, #tpu.memory_space<vmem>>) dst(%dma_wait3A_517 : memref<10240x16xf32, #tpu.memory_space<vmem_shared>>)
    %barrier3A_520 = arith.constant 0 : index
    tpu.barrier barrier_id(%barrier3A_520)
    %add3A_521 = arith.constant 0 : i32
    %add3A_522 = arith.addi %multiple_of3A, %add3A_521 : i32
    %add3A_523 = arith.constant 0 : i32
    %add3A_524 = arith.addi %multiple_of3A, %add3A_523 : i32
    %mul3A_525 = arith.constant 16 : i32
    %mul3A_526 = arith.muli %add3A_403, %mul3A_525 : i32
    "tpu.region"() ({
      %run_scoped3A = tpu.sem_alloc : memref<!tpu.dma_semaphore, #tpu.memory_space<semaphore_mem>>
      %dma_start3A_536 = tpu.memref_slice %arg7[%add3A_524, %mul3A_526] : memref<10240x128xf32, #tpu.memory_space<hbm>> -> memref<320x16xf32, #tpu.memory_space<hbm>>
      %dma_start3A_537 = arith.constant 0 : i32
      %dma_start3A_538 = tpu.memref_slice %arg13[%add3A_522, %dma_start3A_537] : memref<10240x16xf32, #tpu.memory_space<vmem_shared>> -> memref<320x16xf32, #tpu.memory_space<vmem_shared>>
      tpu.enqueue_dma source(%dma_start3A_538 : memref<320x16xf32, #tpu.memory_space<vmem_shared>>) target(%dma_start3A_536 : memref<320x16xf32, #tpu.memory_space<hbm>>) target_semaphore(%run_scoped3A : memref<!tpu.dma_semaphore, #tpu.memory_space<semaphore_mem>>)
      %dma_wait3A_539 = tpu.memref_slice %arg7[%add3A_524, %mul3A_526] : memref<10240x128xf32, #tpu.memory_space<hbm>> -> memref<320x16xf32, #tpu.memory_space<hbm>>
      %dma_wait3A_540 = arith.constant 0 : i32
      %dma_wait3A_541 = tpu.memref_slice %arg13[%add3A_522, %dma_wait3A_540] : memref<10240x16xf32, #tpu.memory_space<vmem_shared>> -> memref<320x16xf32, #tpu.memory_space<vmem_shared>>
      tpu.wait_dma2 semaphore(%run_scoped3A : memref<!tpu.dma_semaphore, #tpu.memory_space<semaphore_mem>>) src(%dma_wait3A_541 : memref<320x16xf32, #tpu.memory_space<vmem_shared>>) dst(%dma_wait3A_539 : memref<320x16xf32, #tpu.memory_space<hbm>>)
      tpu.yield
    }) : () -> ()
    %add3A_527 = arith.constant 320 : i32
    %add3A_528 = arith.addi %multiple_of3A, %add3A_527 : i32
    %add3A_529 = arith.constant 320 : i32
    %add3A_530 = arith.addi %multiple_of3A, %add3A_529 : i32
    %mul3A_531 = arith.constant 16 : i32
    %mul3A_532 = arith.muli %add3A_403, %mul3A_531 : i32
    "tpu.region"() ({
      %run_scoped3A = tpu.sem_alloc : memref<!tpu.dma_semaphore, #tpu.memory_space<semaphore_mem>>
      %dma_start3A_536 = tpu.memref_slice %arg7[%add3A_530, %mul3A_532] : memref<10240x128xf32, #tpu.memory_space<hbm>> -> memref<320x16xf32, #tpu.memory_space<hbm>>
      %dma_start3A_537 = arith.constant 0 : i32
      %dma_start3A_538 = tpu.memref_slice %arg13[%add3A_528, %dma_start3A_537] : memref<10240x16xf32, #tpu.memory_space<vmem_shared>> -> memref<320x16xf32, #tpu.memory_space<vmem_shared>>
      tpu.enqueue_dma source(%dma_start3A_538 : memref<320x16xf32, #tpu.memory_space<vmem_shared>>) target(%dma_start3A_536 : memref<320x16xf32, #tpu.memory_space<hbm>>) target_semaphore(%run_scoped3A : memref<!tpu.dma_semaphore, #tpu.memory_space<semaphore_mem>>)
      %dma_wait3A_539 = tpu.memref_slice %arg7[%add3A_530, %mul3A_532] : memref<10240x128xf32, #tpu.memory_space<hbm>> -> memref<320x16xf32, #tpu.memory_space<hbm>>
      %dma_wait3A_540 = arith.constant 0 : i32
      %dma_wait3A_541 = tpu.memref_slice %arg13[%add3A_528, %dma_wait3A_540] : memref<10240x16xf32, #tpu.memory_space<vmem_shared>> -> memref<320x16xf32, #tpu.memory_space<vmem_shared>>
      tpu.wait_dma2 semaphore(%run_scoped3A : memref<!tpu.dma_semaphore, #tpu.memory_space<semaphore_mem>>) src(%dma_wait3A_541 : memref<320x16xf32, #tpu.memory_space<vmem_shared>>) dst(%dma_wait3A_539 : memref<320x16xf32, #tpu.memory_space<hbm>>)
      tpu.yield
    }) : () -> ()
    %barrier3A_533 = arith.constant 0 : index
    tpu.barrier barrier_id(%barrier3A_533)
    %eq3A = arith.constant 0 : i32
    %eq3A_534 = arith.cmpi eq, %arg0, %eq3A : i32
    %convert_element_type3A = arith.extui %eq3A_534 : i1 to i32
    %cond3A = arith.constant 0 : i32
    %cond3A_535 = arith.cmpi ne, %convert_element_type3A, %cond3A : i32
    scf.if %cond3A_535 {
      %add3A_536 = arith.constant 0 : i32
      %add3A_537 = arith.addi %multiple_of3A, %add3A_536 : i32
      "tpu.region"() ({
        %run_scoped3A = tpu.sem_alloc : memref<!tpu.dma_semaphore, #tpu.memory_space<semaphore_mem>>
        %dma_start3A_596 = arith.constant 0 : i32
        %dma_start3A_597 = tpu.memref_slice %arg13[%add3A_537, %dma_start3A_596] : memref<10240x16xf32, #tpu.memory_space<vmem_shared>> -> memref<320x16xf32, #tpu.memory_space<vmem_shared>>
        tpu.enqueue_dma source(%arg5 : memref<320x16xf32, #tpu.memory_space<hbm>>) target(%dma_start3A_597 : memref<320x16xf32, #tpu.memory_space<vmem_shared>>) target_semaphore(%run_scoped3A : memref<!tpu.dma_semaphore, #tpu.memory_space<semaphore_mem>>)
        %dma_wait3A_598 = arith.constant 0 : i32
        %dma_wait3A_599 = tpu.memref_slice %arg13[%add3A_537, %dma_wait3A_598] : memref<10240x16xf32, #tpu.memory_space<vmem_shared>> -> memref<320x16xf32, #tpu.memory_space<vmem_shared>>
        tpu.wait_dma2 semaphore(%run_scoped3A : memref<!tpu.dma_semaphore, #tpu.memory_space<semaphore_mem>>) src(%arg5 : memref<320x16xf32, #tpu.memory_space<hbm>>) dst(%dma_wait3A_599 : memref<320x16xf32, #tpu.memory_space<vmem_shared>>)
        tpu.yield
      }) : () -> ()
      %add3A_538 = arith.constant 320 : i32
      %add3A_539 = arith.addi %multiple_of3A, %add3A_538 : i32
      "tpu.region"() ({
        %run_scoped3A = tpu.sem_alloc : memref<!tpu.dma_semaphore, #tpu.memory_space<semaphore_mem>>
        %dma_start3A_596 = arith.constant 0 : i32
        %dma_start3A_597 = tpu.memref_slice %arg13[%add3A_539, %dma_start3A_596] : memref<10240x16xf32, #tpu.memory_space<vmem_shared>> -> memref<320x16xf32, #tpu.memory_space<vmem_shared>>
        tpu.enqueue_dma source(%arg5 : memref<320x16xf32, #tpu.memory_space<hbm>>) target(%dma_start3A_597 : memref<320x16xf32, #tpu.memory_space<vmem_shared>>) target_semaphore(%run_scoped3A : memref<!tpu.dma_semaphore, #tpu.memory_space<semaphore_mem>>)
        %dma_wait3A_598 = arith.constant 0 : i32
        %dma_wait3A_599 = tpu.memref_slice %arg13[%add3A_539, %dma_wait3A_598] : memref<10240x16xf32, #tpu.memory_space<vmem_shared>> -> memref<320x16xf32, #tpu.memory_space<vmem_shared>>
        tpu.wait_dma2 semaphore(%run_scoped3A : memref<!tpu.dma_semaphore, #tpu.memory_space<semaphore_mem>>) src(%arg5 : memref<320x16xf32, #tpu.memory_space<hbm>>) dst(%dma_wait3A_599 : memref<320x16xf32, #tpu.memory_space<vmem_shared>>)
        tpu.yield
      }) : () -> ()
      %barrier3A_540 = arith.constant 0 : index
      tpu.barrier barrier_id(%barrier3A_540)
      %dma_start3A_541 = arith.constant 0 : i32
      %dma_start3A_542 = arith.constant 0 : i32
      %dma_start3A_543 = arith.constant 0 : i32
      %dma_start3A_544 = tpu.memref_slice %arg10[%dma_start3A_541, %dma_start3A_543] : memref<157x128xi32, #tpu.memory_space<vmem>> -> memref<1x128xi32, #tpu.memory_space<vmem>>
      %dma_start3A_545 = tpu.memref_squeeze %dma_start3A_544 : memref<1x128xi32, #tpu.memory_space<vmem>> -> memref<128xi32, #tpu.memory_space<vmem>>
      %dma_start3A_546 = arith.constant 0 : i32
      %dma_start3A_547 = arith.constant 0 : i32
      %dma_start3A_548 = tpu.memref_slice %arg13[%dma_start3A_546, %dma_start3A_547] : memref<10240x16xf32, #tpu.memory_space<vmem_shared>> -> memref<10240x16xf32, #tpu.memory_space<vmem_shared>>
      %dma_start3A_549 = tpu.memref_slice %arg14[%dma_start3A_542] : memref<4x!tpu.dma_semaphore, #tpu.memory_space<semaphore_mem>> -> memref<1x!tpu.dma_semaphore, #tpu.memory_space<semaphore_mem>>
      %dma_start3A_550 = tpu.memref_squeeze %dma_start3A_549 : memref<1x!tpu.dma_semaphore, #tpu.memory_space<semaphore_mem>> -> memref<!tpu.dma_semaphore, #tpu.memory_space<semaphore_mem>>
      tpu.enqueue_indirect_dma source(%arg12 : memref<128x16xf32, #tpu.memory_space<vmem>>) target(%dma_start3A_548 : memref<10240x16xf32, #tpu.memory_space<vmem_shared>>) offsets(%dma_start3A_545 : memref<128xi32, #tpu.memory_space<vmem>>) semaphore(%dma_start3A_550 : memref<!tpu.dma_semaphore, #tpu.memory_space<semaphore_mem>>) {add = true}
      %dma_start3A_551 = arith.constant 1 : i32
      %dma_start3A_552 = arith.constant 1 : i32
      %dma_start3A_553 = arith.constant 0 : i32
      %dma_start3A_554 = tpu.memref_slice %arg10[%dma_start3A_551, %dma_start3A_553] : memref<157x128xi32, #tpu.memory_space<vmem>> -> memref<1x128xi32, #tpu.memory_space<vmem>>
      %dma_start3A_555 = tpu.memref_squeeze %dma_start3A_554 : memref<1x128xi32, #tpu.memory_space<vmem>> -> memref<128xi32, #tpu.memory_space<vmem>>
      %dma_start3A_556 = arith.constant 0 : i32
      %dma_start3A_557 = arith.constant 0 : i32
      %dma_start3A_558 = tpu.memref_slice %arg13[%dma_start3A_556, %dma_start3A_557] : memref<10240x16xf32, #tpu.memory_space<vmem_shared>> -> memref<10240x16xf32, #tpu.memory_space<vmem_shared>>
      %dma_start3A_559 = tpu.memref_slice %arg14[%dma_start3A_552] : memref<4x!tpu.dma_semaphore, #tpu.memory_space<semaphore_mem>> -> memref<1x!tpu.dma_semaphore, #tpu.memory_space<semaphore_mem>>
      %dma_start3A_560 = tpu.memref_squeeze %dma_start3A_559 : memref<1x!tpu.dma_semaphore, #tpu.memory_space<semaphore_mem>> -> memref<!tpu.dma_semaphore, #tpu.memory_space<semaphore_mem>>
      tpu.enqueue_indirect_dma source(%arg12 : memref<128x16xf32, #tpu.memory_space<vmem>>) target(%dma_start3A_558 : memref<10240x16xf32, #tpu.memory_space<vmem_shared>>) offsets(%dma_start3A_555 : memref<128xi32, #tpu.memory_space<vmem>>) semaphore(%dma_start3A_560 : memref<!tpu.dma_semaphore, #tpu.memory_space<semaphore_mem>>) {add = true}
      %dma_start3A_561 = arith.constant 2 : i32
      %dma_start3A_562 = arith.constant 2 : i32
      %dma_start3A_563 = arith.constant 0 : i32
      %dma_start3A_564 = tpu.memref_slice %arg10[%dma_start3A_561, %dma_start3A_563] : memref<157x128xi32, #tpu.memory_space<vmem>> -> memref<1x128xi32, #tpu.memory_space<vmem>>
      %dma_start3A_565 = tpu.memref_squeeze %dma_start3A_564 : memref<1x128xi32, #tpu.memory_space<vmem>> -> memref<128xi32, #tpu.memory_space<vmem>>
      %dma_start3A_566 = arith.constant 0 : i32
      %dma_start3A_567 = arith.constant 0 : i32
      %dma_start3A_568 = tpu.memref_slice %arg13[%dma_start3A_566, %dma_start3A_567] : memref<10240x16xf32, #tpu.memory_space<vmem_shared>> -> memref<10240x16xf32, #tpu.memory_space<vmem_shared>>
      %dma_start3A_569 = tpu.memref_slice %arg14[%dma_start3A_562] : memref<4x!tpu.dma_semaphore, #tpu.memory_space<semaphore_mem>> -> memref<1x!tpu.dma_semaphore, #tpu.memory_space<semaphore_mem>>
      %dma_start3A_570 = tpu.memref_squeeze %dma_start3A_569 : memref<1x!tpu.dma_semaphore, #tpu.memory_space<semaphore_mem>> -> memref<!tpu.dma_semaphore, #tpu.memory_space<semaphore_mem>>
      tpu.enqueue_indirect_dma source(%arg12 : memref<128x16xf32, #tpu.memory_space<vmem>>) target(%dma_start3A_568 : memref<10240x16xf32, #tpu.memory_space<vmem_shared>>) offsets(%dma_start3A_565 : memref<128xi32, #tpu.memory_space<vmem>>) semaphore(%dma_start3A_570 : memref<!tpu.dma_semaphore, #tpu.memory_space<semaphore_mem>>) {add = true}
      %dma_start3A_571 = arith.constant 3 : i32
      %dma_start3A_572 = arith.constant 3 : i32
      %dma_start3A_573 = arith.constant 0 : i32
      %dma_start3A_574 = tpu.memref_slice %arg10[%dma_start3A_571, %dma_start3A_573] : memref<157x128xi32, #tpu.memory_space<vmem>> -> memref<1x128xi32, #tpu.memory_space<vmem>>
      %dma_start3A_575 = tpu.memref_squeeze %dma_start3A_574 : memref<1x128xi32, #tpu.memory_space<vmem>> -> memref<128xi32, #tpu.memory_space<vmem>>
      %dma_start3A_576 = arith.constant 0 : i32
      %dma_start3A_577 = arith.constant 0 : i32
      %dma_start3A_578 = tpu.memref_slice %arg13[%dma_start3A_576, %dma_start3A_577] : memref<10240x16xf32, #tpu.memory_space<vmem_shared>> -> memref<10240x16xf32, #tpu.memory_space<vmem_shared>>
      %dma_start3A_579 = tpu.memref_slice %arg14[%dma_start3A_572] : memref<4x!tpu.dma_semaphore, #tpu.memory_space<semaphore_mem>> -> memref<1x!tpu.dma_semaphore, #tpu.memory_space<semaphore_mem>>
      %dma_start3A_580 = tpu.memref_squeeze %dma_start3A_579 : memref<1x!tpu.dma_semaphore, #tpu.memory_space<semaphore_mem>> -> memref<!tpu.dma_semaphore, #tpu.memory_space<semaphore_mem>>
      tpu.enqueue_indirect_dma source(%arg12 : memref<128x16xf32, #tpu.memory_space<vmem>>) target(%dma_start3A_578 : memref<10240x16xf32, #tpu.memory_space<vmem_shared>>) offsets(%dma_start3A_575 : memref<128xi32, #tpu.memory_space<vmem>>) semaphore(%dma_start3A_580 : memref<!tpu.dma_semaphore, #tpu.memory_space<semaphore_mem>>) {add = true}
      %scan3A_581 = arith.constant 0 : i32
      %scan3A_582 = arith.constant 0 : i32
      %scan3A_583 = arith.constant 157 : i32
      %scan3A_584 = arith.addi %scan3A_582, %scan3A_583 : i32
      %scan3A_585 = arith.constant 1 : i32
      scf.for %scan3A_596 = %scan3A_582 to %scan3A_584 step %scan3A_585  : i32 {
        %rem3A = arith.constant 4 : i32
        %rem3A_597 = arith.remsi %scan3A_596, %rem3A : i32
        %dma_wait3A_598 = arith.constant 0 : i32
        %dma_wait3A_599 = arith.constant 0 : i32
        %dma_wait3A_600 = tpu.memref_slice %arg10[%dma_wait3A_598, %dma_wait3A_599] : memref<157x128xi32, #tpu.memory_space<vmem>> -> memref<1x128xi32, #tpu.memory_space<vmem>>
        %dma_wait3A_601 = tpu.memref_squeeze %dma_wait3A_600 : memref<1x128xi32, #tpu.memory_space<vmem>> -> memref<128xi32, #tpu.memory_space<vmem>>
        %dma_wait3A_602 = arith.constant 0 : i32
        %dma_wait3A_603 = arith.constant 0 : i32
        %dma_wait3A_604 = tpu.memref_slice %arg13[%dma_wait3A_602, %dma_wait3A_603] : memref<10240x16xf32, #tpu.memory_space<vmem_shared>> -> memref<10240x16xf32, #tpu.memory_space<vmem_shared>>
        %dma_wait3A_605 = tpu.memref_slice %arg14[%rem3A_597] : memref<4x!tpu.dma_semaphore, #tpu.memory_space<semaphore_mem>> -> memref<1x!tpu.dma_semaphore, #tpu.memory_space<semaphore_mem>>
        %dma_wait3A_606 = tpu.memref_squeeze %dma_wait3A_605 : memref<1x!tpu.dma_semaphore, #tpu.memory_space<semaphore_mem>> -> memref<!tpu.dma_semaphore, #tpu.memory_space<semaphore_mem>>
        tpu.wait_indirect_dma semaphore(%dma_wait3A_606 : memref<!tpu.dma_semaphore, #tpu.memory_space<semaphore_mem>>) src(%arg12 : memref<128x16xf32, #tpu.memory_space<vmem>>) dst(%dma_wait3A_604 : memref<10240x16xf32, #tpu.memory_space<vmem_shared>>)
        %add3A_607 = arith.constant 4 : i32
        %add3A_608 = arith.addi %scan3A_596, %add3A_607 : i32
        %lt3A = arith.constant 157 : i32
        %lt3A_609 = arith.cmpi slt, %add3A_608, %lt3A : i32
        %convert_element_type3A_610 = arith.extui %lt3A_609 : i1 to i32
        %cond3A_611 = arith.constant 0 : i32
        %cond3A_612 = arith.cmpi ne, %convert_element_type3A_610, %cond3A_611 : i32
        scf.if %cond3A_612 {
          %add3A_613 = arith.constant 4 : i32
          %add3A_614 = arith.addi %scan3A_596, %add3A_613 : i32
          %dma_start3A_615 = arith.constant 0 : i32
          %dma_start3A_616 = tpu.memref_slice %arg10[%add3A_614, %dma_start3A_615] : memref<157x128xi32, #tpu.memory_space<vmem>> -> memref<1x128xi32, #tpu.memory_space<vmem>>
          %dma_start3A_617 = tpu.memref_squeeze %dma_start3A_616 : memref<1x128xi32, #tpu.memory_space<vmem>> -> memref<128xi32, #tpu.memory_space<vmem>>
          %dma_start3A_618 = arith.constant 0 : i32
          %dma_start3A_619 = arith.constant 0 : i32
          %dma_start3A_620 = tpu.memref_slice %arg13[%dma_start3A_618, %dma_start3A_619] : memref<10240x16xf32, #tpu.memory_space<vmem_shared>> -> memref<10240x16xf32, #tpu.memory_space<vmem_shared>>
          %dma_start3A_621 = tpu.memref_slice %arg14[%rem3A_597] : memref<4x!tpu.dma_semaphore, #tpu.memory_space<semaphore_mem>> -> memref<1x!tpu.dma_semaphore, #tpu.memory_space<semaphore_mem>>
          %dma_start3A_622 = tpu.memref_squeeze %dma_start3A_621 : memref<1x!tpu.dma_semaphore, #tpu.memory_space<semaphore_mem>> -> memref<!tpu.dma_semaphore, #tpu.memory_space<semaphore_mem>>
          tpu.enqueue_indirect_dma source(%arg12 : memref<128x16xf32, #tpu.memory_space<vmem>>) target(%dma_start3A_620 : memref<10240x16xf32, #tpu.memory_space<vmem_shared>>) offsets(%dma_start3A_617 : memref<128xi32, #tpu.memory_space<vmem>>) semaphore(%dma_start3A_622 : memref<!tpu.dma_semaphore, #tpu.memory_space<semaphore_mem>>) {add = true}
        } else {
        }
      }
      %scan3A_586 = arith.constant 157 : i32
      %barrier3A_587 = arith.constant 0 : index
      tpu.barrier barrier_id(%barrier3A_587)
      %add3A_588 = arith.constant 0 : i32
      %add3A_589 = arith.addi %multiple_of3A, %add3A_588 : i32
      %add3A_590 = arith.constant 0 : i32
      %add3A_591 = arith.addi %multiple_of3A, %add3A_590 : i32
      "tpu.region"() ({
        %run_scoped3A = tpu.sem_alloc : memref<!tpu.dma_semaphore, #tpu.memory_space<semaphore_mem>>
        %dma_start3A_596 = arith.constant 0 : i32
        %dma_start3A_597 = tpu.memref_slice %arg8[%add3A_591, %dma_start3A_596] : memref<10240x16xf32, #tpu.memory_space<hbm>> -> memref<320x16xf32, #tpu.memory_space<hbm>>
        %dma_start3A_598 = arith.constant 0 : i32
        %dma_start3A_599 = tpu.memref_slice %arg13[%add3A_589, %dma_start3A_598] : memref<10240x16xf32, #tpu.memory_space<vmem_shared>> -> memref<320x16xf32, #tpu.memory_space<vmem_shared>>
        tpu.enqueue_dma source(%dma_start3A_599 : memref<320x16xf32, #tpu.memory_space<vmem_shared>>) target(%dma_start3A_597 : memref<320x16xf32, #tpu.memory_space<hbm>>) target_semaphore(%run_scoped3A : memref<!tpu.dma_semaphore, #tpu.memory_space<semaphore_mem>>)
        %dma_wait3A_600 = arith.constant 0 : i32
        %dma_wait3A_601 = tpu.memref_slice %arg8[%add3A_591, %dma_wait3A_600] : memref<10240x16xf32, #tpu.memory_space<hbm>> -> memref<320x16xf32, #tpu.memory_space<hbm>>
        %dma_wait3A_602 = arith.constant 0 : i32
        %dma_wait3A_603 = tpu.memref_slice %arg13[%add3A_589, %dma_wait3A_602] : memref<10240x16xf32, #tpu.memory_space<vmem_shared>> -> memref<320x16xf32, #tpu.memory_space<vmem_shared>>
        tpu.wait_dma2 semaphore(%run_scoped3A : memref<!tpu.dma_semaphore, #tpu.memory_space<semaphore_mem>>) src(%dma_wait3A_603 : memref<320x16xf32, #tpu.memory_space<vmem_shared>>) dst(%dma_wait3A_601 : memref<320x16xf32, #tpu.memory_space<hbm>>)
        tpu.yield
      }) : () -> ()
      %add3A_592 = arith.constant 320 : i32
      %add3A_593 = arith.addi %multiple_of3A, %add3A_592 : i32
      %add3A_594 = arith.constant 320 : i32
      %add3A_595 = arith.addi %multiple_of3A, %add3A_594 : i32
      "tpu.region"() ({
        %run_scoped3A = tpu.sem_alloc : memref<!tpu.dma_semaphore, #tpu.memory_space<semaphore_mem>>
        %dma_start3A_596 = arith.constant 0 : i32
        %dma_start3A_597 = tpu.memref_slice %arg8[%add3A_595, %dma_start3A_596] : memref<10240x16xf32, #tpu.memory_space<hbm>> -> memref<320x16xf32, #tpu.memory_space<hbm>>
        %dma_start3A_598 = arith.constant 0 : i32
        %dma_start3A_599 = tpu.memref_slice %arg13[%add3A_593, %dma_start3A_598] : memref<10240x16xf32, #tpu.memory_space<vmem_shared>> -> memref<320x16xf32, #tpu.memory_space<vmem_shared>>
        tpu.enqueue_dma source(%dma_start3A_599 : memref<320x16xf32, #tpu.memory_space<vmem_shared>>) target(%dma_start3A_597 : memref<320x16xf32, #tpu.memory_space<hbm>>) target_semaphore(%run_scoped3A : memref<!tpu.dma_semaphore, #tpu.memory_space<semaphore_mem>>)
        %dma_wait3A_600 = arith.constant 0 : i32
        %dma_wait3A_601 = tpu.memref_slice %arg8[%add3A_595, %dma_wait3A_600] : memref<10240x16xf32, #tpu.memory_space<hbm>> -> memref<320x16xf32, #tpu.memory_space<hbm>>
        %dma_wait3A_602 = arith.constant 0 : i32
        %dma_wait3A_603 = tpu.memref_slice %arg13[%add3A_593, %dma_wait3A_602] : memref<10240x16xf32, #tpu.memory_space<vmem_shared>> -> memref<320x16xf32, #tpu.memory_space<vmem_shared>>
        tpu.wait_dma2 semaphore(%run_scoped3A : memref<!tpu.dma_semaphore, #tpu.memory_space<semaphore_mem>>) src(%dma_wait3A_603 : memref<320x16xf32, #tpu.memory_space<vmem_shared>>) dst(%dma_wait3A_601 : memref<320x16xf32, #tpu.memory_space<hbm>>)
        tpu.yield
      }) : () -> ()
    } else {
    }
    return
  }
}

module attributes {stable_mosaic.version = 14 : i64} {
  func.func @tc_body(%arg0: memref<10240x128xf32, #tpu.memory_space<vmem>>, %arg1: memref<10240x16xf32, #tpu.memory_space<vmem>>, %arg2: memref<128x128xf32, #tpu.memory_space<vmem>>, %arg3: memref<1x128xf32, #tpu.memory_space<vmem>>, %arg4: memref<10000x128xf32, #tpu.memory_space<vmem>>) attributes {dimension_semantics = [], scalar_prefetch = 0 : i64, scratch_operands = 0 : i64, tpu.core_type = #tpu.core_type<tc>} {
    %get3A = arith.constant 0 : index
    %get3A_0 = arith.constant 0 : index
    %get3A_1 = vector.load %arg1[%get3A, %get3A_0] : memref<10240x16xf32, #tpu.memory_space<vmem>>, vector<10240x1xf32>
    %max3A = arith.constant 1.000000e+00 : f32
    %max3A_2 = vector.broadcast %max3A : f32 to vector<10240x1xf32>
    %max3A_3 = arith.maximumf %get3A_1, %max3A_2 : vector<10240x1xf32>
    %div3A = arith.constant 1.000000e+00 : f32
    %div3A_4 = vector.broadcast %div3A : f32 to vector<10240x1xf32>
    %div3A_5 = arith.divf %div3A_4, %max3A_3 : vector<10240x1xf32>
    %get3A_6 = arith.constant 0 : index
    %get3A_7 = arith.constant 0 : index
    %get3A_8 = vector.load %arg0[%get3A_6, %get3A_7] : memref<10240x128xf32, #tpu.memory_space<vmem>>, vector<10240x128xf32>
    %mul3A = vector.broadcast %div3A_5 : vector<10240x1xf32> to vector<10240x128xf32>
    %mul3A_9 = arith.mulf %get3A_8, %mul3A : vector<10240x128xf32>
    %get3A_10 = arith.constant 0 : index
    %get3A_11 = arith.constant 0 : index
    %get3A_12 = vector.load %arg2[%get3A_10, %get3A_11] : memref<128x128xf32, #tpu.memory_space<vmem>>, vector<128x128xf32>
    %dot_general3A = arith.constant dense<0.000000e+00> : vector<10240x128xf32>
    %dot_general3A_13 = tpu.matmul %mul3A_9, %get3A_12, %dot_general3A {dimension_numbers = #tpu.dot_dimension_numbers<[1], [1], [0], [0], [0, 0, 1, 0], [], []>, transpose_lhs_hint = false} : vector<10240x128xf32>, vector<128x128xf32>, vector<10240x128xf32> -> vector<10240x128xf32>
    %slice3A = vector.extract_strided_slice %dot_general3A_13 {offsets = [0, 0], sizes = [10000, 128], strides = [1, 1]} : vector<10240x128xf32> to vector<10000x128xf32>
    %get3A_14 = arith.constant 0 : index
    %get3A_15 = arith.constant 0 : index
    %get3A_16 = vector.load %arg3[%get3A_14, %get3A_15] : memref<1x128xf32, #tpu.memory_space<vmem>>, vector<1x128xf32>
    %add3A = vector.broadcast %get3A_16 : vector<1x128xf32> to vector<10000x128xf32>
    %add3A_17 = arith.addf %slice3A, %add3A : vector<10000x128xf32>
    %swap3A = arith.constant 0 : index
    %swap3A_18 = arith.constant 0 : index
    %swap3A_19 = vector.load %arg4[%swap3A, %swap3A_18] : memref<10000x128xf32, #tpu.memory_space<vmem>>, vector<10000x128xf32>
    tpu.vector_store %arg4[%swap3A, %swap3A_18], %add3A_17 {strides = array<i32>} : memref<10000x128xf32, #tpu.memory_space<vmem>>, vector<10000x128xf32>,
    return
  }
}

</mosaic_0001>

<sc_bundles>
// kernel: kernel.4.cloned.1.call-start
scs
__scs_entry_jumppad:
0x0: {  	(pc) =	sbr.rel $0x88, $3  }
0x1: {  	(tag) =	ssettag $0x0;
	lr =	simm.s32 $0x1  }
0x2: {  	[smem:$0x3F9D] =	sst lr;
	_ =	strace $0xD0000000  }
0x3: {  	_ = 	snop  }
0x4: {  	_ = 	snop  }
0x5: {  	_ = 	snop  }
0x6: {  	_ = 	snop  }
0x7: {  	_ = 	snop  }
__scs_overlays_trampoline_lowered:
0x8: {  	[smem:$0x3FAC] =	sst s0  }
0x9: {  	[smem:$0x3FAD] =	sst s1  }
0xa: {  	[smem:$0x3FAE] =	sst s2  }
0xb: {  	[smem:$0x3FAF] =	sst s3  }
0xc: {  	[smem:$0x3FB0] =	sst s4  }
0xd: {  	[smem:$0x3FB1] =	sst s5  }
0xe: {  	[smem:$0x3FB2] =	sst s6  }
0xf: {  	[smem:$0x3FB3] =	sst s7  }
0x10: {  	[smem:$0x3FB4] =	sst s8  }
0x11: {  	[smem:$0x3FB5] =	sst s9;
	s0 =	simm.s32 @!p0 $0x0  }
0x12: {  	s1 =	sld [smem:$0x3F9B];
	s0 =	simm.s32 @p0 $0x1  }
0x13: {  	[smem:$0x3FB6] =	sst s0;
	s0 =	simm.s32 @!p1 $0x0  }
0x14: {  	s2 =	sld [smem:$0x3F9A];
	s0 =	simm.s32 @p1 $0x1  }
0x15: {  	[smem:$0x3FB7] =	sst s0;
	s0 =	simm.s32 @!p2 $0x0  }
0x16: {  	s3 =	sld [smem:$0x3FDB];
	s0 =	simm.s32 @p2 $0x1  }
0x17: {  	s4 =	simm.s32 $0x1BF5;
	[smem:$0x3FB9] =	sst s0  }
0x18: {  	s0 =	sld [smem:$0x3F9C];
	_ =	swait.ge [sflag:s4], $0x0  }
0x19: {  	s7 =	sld [smem:$0x3F9D]  }
0x1a: {  	s8 =	sadd.s32 $0xFFFFE003, lr  }
0x1b: {  	s9 =	sadd.s32 $0xFFFFFEF7, lr;
	s5 =	simm.s32 $0xFFFFFFFF;
	p2 =	slt.u32 s8, $0xFFFFF086  }
0x1c: {  	p1 =	slt.u32 s9, $0xF7A;
	s5 =	simm.s32 @!p2 $0x0  }
0x1d: {  	s5 =	simm.s32 @p1 $0x1;
	p0 =	seq.s32 s7, s2  }
0x1e: {  	s7 =	smul.u32 @!p0 $0xF7A, s2;
	p2 =	seq.s32 @!p0 s5, $0x0  }
0x1f: {  	s9 =	smul.u32 $0xF7A, s1;
	s8 =	simm.s32 @!p0 $0x1BF5;
	p2 =	por !p2, p0  }
0x20: {  	[sflag:s8] =	ssyncset.s32 @!p0 $0xFFFFF086;
	s6 =	sadd.s32 @!p0 s3, s7;
	s7 =	simm.s32 @!p0 $0x108  }
0x21: {  	s3 =	sadd.s32 s3, s9;
	s6 =	sadd.s32 @!p0 $0x88, s6;
	s7 =	simm.s32 @p2 $0x1082  }
0x22: {  	[simem:s7], [sflag:s8] =	dma.local @!p0 [hbm:s6], $0xF7A  }
0x23: {  	s9 =	sor.u32 $0xD0000000, s2;
	s6 =	simm.s32 $0x108;
	_ =	swait.ge @!p0 [sflag:s8], $0x0  }
0x24: {  	s3 =	sadd.s32 $0x88, s3;
	s6 =	simm.s32 @!p1 $0x1082;
	[sflag:s4] =	ssyncset.s32 $0xFFFFF086  }
0x25: {  	[simem:s6], [sflag:s4] =	dma.local [hbm:s3], $0xF7A  }
0x26: {  	[smem:$0x3F9D] =	sst s1;
	(tag) =	ssettag s2;
	_ =	strace s9  }
0x27: {  	s1 =	sld [smem:$0x3FAD]  }
0x28: {  	s2 =	sld [smem:$0x3FAE]  }
0x29: {  	s4 =	sld [smem:$0x3FB0]  }
0x2a: {  	p0 =	seq.s32 s5, $0x0;
	s5 =	sld [smem:$0x3FB1]  }
0x2b: {  	s6 =	sld [smem:$0x3FB2]  }
0x2c: {  	s7 =	sld [smem:$0x3FB3]  }
0x2d: {  	s3 =	simm.s32 $0x108;
	s8 =	sld [smem:$0x3FB4]  }
0x2e: {  	s3 =	simm.s32 @!p0 $0x1082;
	s9 =	sld [smem:$0x3FB5]  }
0x2f: {  	lr =	sadd.s32 s0, s3;
	s0 =	sld [smem:$0x3FAC]  }
0x30: {  	s3 =	sld [smem:$0x3FAF]  }
0x31: {  	[smem:$0x3FB8] =	sst s10  }
0x32: {  	s10 =	sld [smem:$0x3FB6];
	_ =	sdelay $0x3  }
0x33: {  	p0 =	seq.s32 s10, $0x1;
	s10 =	sld [smem:$0x3FB8];
	_ =	sdelay $0x3  }
0x34: {  	[smem:$0x3FB8] =	sst s10  }
0x35: {  	s10 =	sld [smem:$0x3FB7];
	_ =	sdelay $0x3  }
0x36: {  	p1 =	seq.s32 s10, $0x1;
	s10 =	sld [smem:$0x3FB8];
	_ =	sdelay $0x3  }
0x37: {  	[smem:$0x3FB8] =	sst s10  }
0x38: {  	s10 =	sld [smem:$0x3FB9]  }
0x39: {  	_ = 	snop;
	(pc) =	sbr.ind lr, $3  }
0x3a: {  	_ = 	snop  }
0x3b: {  	_ = 	snop  }
0x3c: {  	p2 =	seq.s32 s10, $0x1;
	s10 =	sld [smem:$0x3FB8]  }
0x3d: {  	_ =	shalt  }
0x3e: {  	_ =	shalt  }
0x3f: {  	_ =	shalt  }
0x40: {  	_ =	shalt  }
0x41: {  	_ =	shalt  }
0x42: {  	_ =	shalt  }
0x43: {  	_ =	shalt  }
0x44: {  	_ =	shalt  }
0x45: {  	_ =	shalt  }
0x46: {  	_ =	shalt  }
0x47: {  	_ =	shalt  }
0x48: {  	_ =	shalt  }
0x49: {  	_ =	shalt  }
0x4a: {  	_ =	shalt  }
0x4b: {  	_ =	shalt  }
0x4c: {  	_ =	shalt  }
0x4d: {  	_ =	shalt  }
0x4e: {  	_ =	shalt  }
0x4f: {  	_ =	shalt  }
0x50: {  	_ =	shalt  }
0x51: {  	_ =	shalt  }
0x52: {  	_ =	shalt  }
0x53: {  	_ =	shalt  }
0x54: {  	_ =	shalt  }
0x55: {  	_ =	shalt  }
0x56: {  	_ =	shalt  }
0x57: {  	_ =	shalt  }
0x58: {  	_ =	shalt  }
0x59: {  	_ =	shalt  }
0x5a: {  	_ =	shalt  }
0x5b: {  	_ =	shalt  }
0x5c: {  	_ =	shalt  }
0x5d: {  	_ =	shalt  }
0x5e: {  	_ =	shalt  }
0x5f: {  	_ =	shalt  }
0x60: {  	_ =	shalt  }
0x61: {  	_ =	shalt  }
0x62: {  	_ =	shalt  }
0x63: {  	_ =	shalt  }
0x64: {  	_ =	shalt  }
0x65: {  	_ =	shalt  }
0x66: {  	_ =	shalt  }
0x67: {  	_ =	shalt  }
0x68: {  	_ =	shalt  }
0x69: {  	_ =	shalt  }
0x6a: {  	_ =	shalt  }
0x6b: {  	_ =	shalt  }
0x6c: {  	_ =	shalt  }
0x6d: {  	_ =	shalt  }
0x6e: {  	_ =	shalt  }
0x6f: {  	_ =	shalt  }
0x70: {  	_ =	shalt  }
0x71: {  	_ =	shalt  }
0x72: {  	_ =	shalt  }
0x73: {  	_ =	shalt  }
0x74: {  	_ =	shalt  }
0x75: {  	_ =	shalt  }
0x76: {  	_ =	shalt  }
0x77: {  	_ =	shalt  }
0x78: {  	_ =	shalt  }
0x79: {  	_ =	shalt  }
0x7a: {  	_ =	shalt  }
0x7b: {  	_ =	shalt  }
0x7c: {  	_ =	shalt  }
0x7d: {  	_ =	shalt  }
0x7e: {  	_ =	shalt  }
0x7f: {  	_ =	shalt  }
0x80: {  	_ =	shalt  }
0x81: {  	_ =	shalt  }
0x82: {  	_ =	shalt  }
0x83: {  	_ =	shalt  }
0x84: {  	_ =	shalt  }
0x85: {  	_ =	shalt  }
0x86: {  	_ =	shalt  }
0x87: {  	_ =	shalt  }
.Lfunc_end0:
.L_simem_size_0:
called_computation_lowered:
.L_overlay_start_0:
0x88: {  	s2 =	sld [smem:$0x3FD9]  }
0x89: {  	s3 =	sld [smem:$0x3FFE];
	_ =	sdelay $0x1  }
0x8a: {  	s1 =	srdreg.scid  }
0x8b: {  	s0 =	sand.u32 $0x1, s1  }
0x8c: {  	s17 =	sshll.u32 s0, $0xA;
	s2 =	sadd.s32 s3, s2  }
0x8d: {  	s2 =	sadd.s32 s2, s17  }
0x8e: {  	[smem:$0x3FC4] =	sst s2  }
0x8f: {  	_ = 	snop  }
0x90: {  	s2 =	sld [smem:$0x3FC9]  }
0x91: {  	s18 =	sld [smem:$0x3FD0];
	(tm) =	ssettm $0x1  }
0x92: {  	s4 =	sld [smem:$0x3FFB];
	_ =	sdelay $0x3  }
0x93: {  	_ =	strace s4  }
0x94: {  	s4 =	sld [smem:$0x3FFC];
	_ =	sdelay $0x3  }
0x95: {  	_ =	strace s4  }
0x96: {  	s4 =	sld [smem:$0x3FFD];
	_ =	sdelay $0x3  }
0x97: {  	_ =	strace s4  }
0x98: {  	_ =	strace $0x8FFFFFFF  }
0x99: {  	s19 =	sld [smem:$0x3FDB];
	_ =	sdelay $0x1  }
0x9a: {  	s5 =	simm.s32 $_scs_section_size  }
0x9b: {  	s6 =	simm.s32 $_size__tile_overlayer_lowered;
	s7 =	simm.s32 $_tile_overlayer_lowered  }
0x9c: {  	s22 =	simm.s32 $0x1BFF;
	s21 =	sshll.u32 s7, $0x1;
	s4 =	sadd.s32 s5, s19  }
0x9d: {  	s8 =	simm.s32 $0x0;
	s20 =	sshll.u32 s6, $0x1;
	s6 =	sadd.s32 s21, s4  }
0x9e: {  	[timem:s8], [sflag:s22] =	dma.local [hbm:s6], s20  }
0x9f: {  	_ =	swait.ge [sflag:s22], s20  }
0xa0: {  	s5 =	ssub.s32 $0x0, s20;
	[sflag:s22] =	ssyncset.done $0x0  }
0xa1: {  	[sflag:s22] =	ssyncadd.s32 s5;
	_ =	sdelay $0x1  }
0xa2: {  	s23 =	simm.s32 $0x1B8B  }
0xa3: {  	_ =	swait.ge [sflag:s23], $0x1  }
0xa4: {  	[sflag:s23] =	ssyncset.done $0x0  }
0xa5: {  	s25 =	simm.s32 $0x1B8E;
	s24 =	sld [smem:$0x3FFE];
	[sflag:s23] =	ssyncadd.s32 $0xFFFFFFFF  }
0xa6: {  	s26 =	simm.s32 $execute0_lowered;
	[smem:$0x3FD2] =	sst s25  }
0xa7: {  	s6 =	sshll.u32 s26, $0x1;
	_ =	strace $0x80000046;
	[dreg:$0x1] =	wrdreg $0xFFFFFFFF  }
0xa8: {  	s28 =	simm.s32 $_size_execute0_lowered;
	s4 =	sadd.s32 s4, s6;
	[dreg:$0x0] =	wrdreg $0x0  }
0xa9: {  	s6 =	sshll.u32 s28, $0x1;
	[dreg:$0x2] =	wrdreg s4  }
0xaa: {  	[dreg:$0x3] =	wrdreg s6  }
0xab: {  	[dreg:$0x4] =	wrdreg $0xC0  }
0xac: {  	_ =	task [dreg:s8], $0x5FFFF  }
0xad: {  	[dreg:$0x1] =	wrdreg $0xFFFFFFFF  }
0xae: {  	[dreg:$0x0] =	wrdreg $0x60  }
0xaf: {  	[dreg:$0x2] =	wrdreg s2  }
0xb0: {  	[dreg:$0x3] =	wrdreg s24  }
0xb1: {  	[dreg:$0x4] =	wrdreg s18  }
0xb2: {  	[dreg:$0x5] =	wrdreg $0xC5000  }
0xb3: {  	[dreg:$0x6] =	wrdreg $0x9  }
0xb4: {  	_ =	task.clear_ibuf [dreg:s8], $0x7FFFF;
	_ =	strace $0x90000046  }
0xb5: {  	s29 =	simm.s32 $0x9;
	_ =	strace $0x80000048  }
0xb6: {  	_ =	swait.ge [sflag:s29], $0x1  }
0xb7: {  	[sflag:s29] =	ssyncadd.s32 $0xFFFFFFFF  }
0xb8: {  	_ =	strace $0x90000048  }
0xb9: {  	_ =	sfence  }
0xba: {  	s30 =	sld [smem:$0x0];
	_ =	sdelay $0x2  }
0xbb: {  	s31 =	sshll.u32 s1, $0xD;
	s1 =	sshrl.u32 s1, $0x2  }
0xbc: {  	s3 =	sand.u32 $0x4000, s31;
	s1 =	sadd.s32 s1, s30  }
0xbd: {  	s0 =	sor.u32 s3, s0;
	s1 =	sshll.u32 s1, $0x11  }
0xbe: {  	s0 =	sor.u32 s1, s0  }
0xbf: {  	s0 =	sadd.s32 $0x8F2B, s0  }
0xc0: {  	[sflag:s0] =	ssyncadd.remote.s32 $0x1  }
0xc1: {  	_ =	sfence.sel $0xFFFF  }
0xc2: {  	[dreg:$0x0] =	wrdreg $0xFFFFFFFF;
	(pc) =	sbr.abs _section_cstart, $3  }
0xc3: {  	[dreg:$0x1] =	wrdreg $0xFFFFFFFF  }
0xc4: {  	_ =	task.clear_ibuf [dreg:s8], $0x2FFFF;
	_ =	strace $0x9FFFFFFF  }
0xc5: {  	(tm) =	ssettm $0x7FFFFFFF  }
tec
execute0_lowered:
.L_overlay_start_1:
0x0: {  	(tag) =	ssettag $0x1  }
0x1: {  	s1 =	rddreg [dreg:$0x0]  }
0x2: {  	s0 =	rddreg [dreg:$0x1]  }
0x3: {  	s6 =	rddreg [dreg:$0x2]  }
0x4: {  	s2 =	rddreg [dreg:$0x3]  }
0x5: {  	s3 =	simm.s32 $0x0;
	s4 =	srdreg.scid;
	s23 =	stileid.u32  }
0x6: {  	s29 =	simm.s32 $0x80;
	[smem:$0x7FF] =	sst s3;
	s9 =	smul.u32 $0x4E80, s23  }
0x7: {  	s7 =	sadd.s32 $0x600, s0;
	s4 =	sand.u32 $0x1, s4;
	s12 =	smul.u32 $0x280, s23  }
0x8: {  	s8 =	sadd.s32 $0x54400, s0;
	s10 =	sadd.s32 $0x4F400, s0;
	s31 =	smul.u32 $0x14000, s23  }
0x9: {  	s23 =	smul.u32 $0x2800, s23;
	_ =	strace $0x80000047;
	s5 =	ssub.s32 $0x2, s4  }
0xa: {  	s13 =	smul.u32 $0x13A000, s4;
	s30 =	sshll.u32 s4, $0x2;
	s14 =	sshll.u32 s4, $0x6  }
0xb: {  	s20 =	sshllo.u32 s4, $0x2;
	p0 =	sne.s32 s4, $0x0;
	s11 =	sshrl.u32 s5, $0x1  }
0xc: {  	s28 =	sshrl.u32 s9, $0x3;
	s12 =	sadd.s32 $0x140, s12;
	s15 =	sor.u32 s14, s31  }
0xd: {  	s17 =	sor.u32 $0x1, s30;
	s22 =	smul.u32 $0x4E800, s20;
	s20 =	sshll.u32 s20, $0x4  }
0xe: {  	s5 =	ssub.s32 s5, s11;
	s6 =	sadd.s32 s6, s28;
	s13 =	sadd.s32 s9, s13  }
0xf: {  	s16 =	sshll.u32 s12, $0x7;
	s18 =	smul.u32 $0x4E800, s17;
	s17 =	sshll.u32 s17, $0x4  }
0x10: {  	s11 =	sor.u32 s31, s20;
	s15 =	sshrl.u32 s15, $0x3;
	[dreg:$0x5] =	wrdreg s6  }
0x11: {  	s14 =	sor.u32 s14, s16;
	s6 =	sor.u32 $0x2, s30;
	s21 =	sor.u32 s31, s17  }
0x12: {  	s17 =	sor.u32 s17, s16;
	s13 =	sshrl.u32 s13, $0x3;
	s25 =	sadd.s32 s8, s15  }
0x13: {  	s19 =	smul.u32 $0x4E800, s6;
	s18 =	sadd.s32 s9, s18;
	s6 =	sshll.u32 s6, $0x4  }
0x14: {  	s13 =	sadd.s32 s7, s13;
	[dreg:$0x7] =	wrdreg s25;
	s26 =	sshrl.u32 s14, $0x3  }
0x15: {  	s30 =	sshrl.u32 s21, $0x3;
	s14 =	sshrl.u32 s17, $0x3;
	s25 =	sshll.u32 s12, $0x1  }
0x16: {  	s24 =	sor.u32 s31, s6;
	s6 =	sor.u32 s6, s16;
	s16 =	sor.u32 s20, s16  }
0x17: {  	[dreg:$0x6] =	wrdreg s13;
	s13 =	sadd.s32 s8, s26;
	s28 =	sshrl.u32 s18, $0x3  }
0x18: {  	s31 =	sadd.s32 s8, s30;
	s20 =	sshrl.u32 s11, $0x3;
	s26 =	sadd.s32 s10, s25  }
0x19: {  	s30 =	sshll.u32 s12, $0x4;
	s11 =	simm.s32 $0x2;
	[dreg:$0x8] =	wrdreg s13  }
0x1a: {  	s12 =	simm.s32 $0x0;
	s19 =	sadd.s32 s9, s19;
	[dreg:$0xa] =	wrdreg s31  }
0x1b: {  	s9 =	sadd.s32 s9, s22;
	s13 =	sadd.s32 s7, s28;
	[dreg:$0x13] =	wrdreg s26  }
0x1c: {  	s17 =	sshrl.u32 s24, $0x3;
	s21 =	sadd.s32 s8, s20;
	[dreg:$0x9] =	wrdreg s13  }
0x1d: {  	s20 =	sadd.s32 $0x4F000, s0;
	s0 =	sadd.s32 $0x4EE00, s0;
	[dreg:$0x10] =	wrdreg s21  }
0x1e: {  	s6 =	sshrl.u32 s6, $0x3;
	s28 =	sadd.s32 s23, s2;
	[dreg:$0x14] =	wrdreg s0  }
0x1f: {  	s22 =	sshrl.u32 s16, $0x3;
	s31 =	smax.u32 s5, $0x1;
	[dreg:$0x15] =	wrdreg s28  }
0x20: {  	s24 =	sshrl.u32 s23, $0x3;
	s13 =	sadd.s32 s8, s14;
	[dreg:$0x17] =	wrdreg s31  }
0x21: {  	s26 =	simm.s32 $0x9;
	s18 =	sadd.s32 s8, s17;
	[dreg:$0xb] =	wrdreg s13  }
0x22: {  	s15 =	sshrl.u32 s19, $0x3;
	s6 =	sadd.s32 s8, s6;
	[dreg:$0xd] =	wrdreg s18  }
0x23: {  	s19 =	sshrl.u32 s9, $0x3;
	s0 =	sadd.s32 s30, s2;
	[dreg:$0xe] =	wrdreg s6  }
.Ltmp0:
0x24: {  	s13 =	sadd.s32 s7, s15;
	[dreg:$0x16] =	wrdreg s0;
	(pc) =	sbr.rel .LBB2_1-.Ltmp0, $4  }
0x25: {  	s5 =	simm.s32 $0x1;
	s6 =	sadd.s32 s7, s19;
	[dreg:$0xc] =	wrdreg s13  }
0x26: {  	s9 =	simm.s32 $0x5;
	[dreg:$0xf] =	wrdreg s6;
	s6 =	sadd.s32 s8, s22  }
0x27: {  	s7 =	simm.s32 $0x7;
	[dreg:$0x11] =	wrdreg s6;
	s6 =	sadd.s32 s10, s24  }
0x28: {  	s8 =	simm.s32 $0x8;
	[dreg:$0x12] =	wrdreg s6;
	s6 =	simm.s32 $0x6  }
.LBB2_12:
0x29: {  	[spmem:s2] =	stream.indirect.scatter.add.f32 @!p1 [tilespmem:s18], [sflag:s21], $0x10, s16, s0, $0xb8;
	[tilespmem:$0xED00] =	vst v63  }
0x2a: {  	[bflag:$0x0] =	sbarrier.arrive $0xFFFF  }
0x2b: {  	s30 =	rddreg [dreg:$0x12]  }
0x2c: {  	[hbm:s30], [sflag:s13] =	dma.local [spmem:s14], $0x280  }
0x2d: {  	_ =	swait.ge [sflag:s26], $0x280  }
0x2e: {  	[sflag:s26] =	ssyncset.done $0x0  }
0x2f: {  	s31 =	rddreg [dreg:$0x13];
	[sflag:s26] =	ssyncadd.s32 $0xFFFFFD80  }
0x30: {  	[hbm:s31], [sflag:s13] =	dma.local [spmem:s15], $0x280  }
0x31: {  	_ =	swait.ge [sflag:s26], $0x280  }
0x32: {  	[sflag:s26] =	ssyncset.done $0x0  }
0x33: {  	[sflag:s26] =	ssyncadd.s32 $0xFFFFFD80  }
.LBB2_13:
0x34: {  	s12 =	sadd.s32 $0x1, s12;
	s0 =	rddreg [dreg:$0x17]  }
0x35: {  	p1 =	sne.s32 s12, s0  }
.Ltmp1:
0x36: {  	_ = 	snop;
	(pc) =	sbr.rel @!p1 .LBB2_14-.Ltmp1, $1  }
0x37: {  	_ =	sdelay $0x3  }
.LBB2_1:
0x38: {  	s0 =	rddreg [dreg:$0x14];
	s4 =	simm.s32 $0xBD00  }
0x39: {  	[tilespmem:s4], [sflag:$0x9] =	stream.linear.gather [hbm4b:s0+s3], $0x800, $0x38;
	[tilespmem:$0xED00] =	vst v63  }
0x3a: {  	_ =	swait.ge [sflag:s26], $0x800  }
0x3b: {  	[sflag:s26] =	ssyncset.done $0x0  }
0x3c: {  	s17 =	simm.s32 $0x4E80;
	s16 =	rddreg [dreg:$0x5];
	[sflag:s26] =	ssyncadd.s32 $0xFFFFF800  }
0x3d: {  	[tilespmem:s17], [sflag:$0x9] =	stream.linear.gather [hbm4b:s16+s3], $0x4E80, $0x38;
	[tilespmem:$0xED00] =	vst v63  }
0x3e: {  	s18 =	stileid.u32;
	_ =	swait.ge [sflag:s26], $0x4E80  }
0x3f: {  	s0 =	sshll.u32 s18, $0x6;
	[sflag:s26] =	ssyncset.done $0x0;
	s19 =	rddreg [dreg:$0x15]  }
0x40: {  	s13 =	sor.u32 $0x1C09, s0;
	[sflag:s26] =	ssyncadd.s32 $0xFFFFB180;
	s14 =	sshrl.u32 s19, $0x3  }
0x41: {  	[spmem:s14], [sflag:s13] =	dma.local [hbm:s20], $0x280  }
0x42: {  	_ =	swait.ge [sflag:s26], $0x280  }
0x43: {  	[sflag:s26] =	ssyncset.done $0x0;
	s21 =	rddreg [dreg:$0x16]  }
0x44: {  	[sflag:s26] =	ssyncadd.s32 $0xFFFFFD80;
	s15 =	sshrl.u32 s21, $0x3  }
0x45: {  	[spmem:s15], [sflag:s13] =	dma.local [hbm:s20], $0x280  }
0x46: {  	_ =	swait.ge [sflag:s26], $0x280  }
0x47: {  	[sflag:s26] =	ssyncset.done $0x0  }
0x48: {  	s22 =	rddreg [dreg:$0x6];
	[sflag:s26] =	ssyncadd.s32 $0xFFFFFD80  }
0x49: {  	[tilespmem:s3], [sflag:$0x9] =	stream.linear.gather [hbm4b:s22+s3], $0x4E80, $0x38;
	[tilespmem:$0xED00] =	vst v63  }
0x4a: {  	_ =	swait.ge [sflag:s26], $0x4E80  }
0x4b: {  	[sflag:s26] =	ssyncset.done $0x0  }
0x4c: {  	[sflag:s26] =	ssyncadd.s32 $0xFFFFB180  }
0x4d: {  	s23 =	simm.s32 $0x9D00;
	[bflag:$0x0] =	sbarrier.arrive $0xFFFF  }
0x4e: {  	[tilespmem:s23], [sflag:$0x1] =	stream.indirect.gather [hbm4b:s1+s29], $0x10, s3, s29, $0xb8;
	[tilespmem:$0xED00] =	vst v63  }
0x4f: {  	s10 =	simm.s32 $0xA500;
	s24 =	simm.s32 $0x100  }
0x50: {  	[tilespmem:s10], [sflag:$0x2] =	stream.indirect.gather [hbm4b:s1+s29], $0x10, s29, s29, $0xb8;
	[tilespmem:$0xED00] =	vst v63  }
0x51: {  	p1 =	por $0x0, $0x0;
	s0 =	simm.s32 $0x4;
	s16 =	simm.s32 $0xAD00  }
0x52: {  	[tilespmem:s16], [sflag:$0x3] =	stream.indirect.gather [hbm4b:s1+s29], $0x10, s24, s29, $0xb8;
	[tilespmem:$0xED00] =	vst v63  }
0x53: {  	s25 =	simm.s32 $0x180;
	s28 =	simm.s32 $0xB500;
	s0 =	sand.u32 @!p1 $0x3, s0  }
0x54: {  	[tilespmem:s28], [sflag:$0x4] =	stream.indirect.gather [hbm4b:s1+s29], $0x10, s25, s29, $0xb8;
	[tilespmem:$0xED00] =	vst v63  }
0x55: {  	s21 =	sadd.s32 @!p1 $0x5, s0;
	_ =	swait.ge [sflag:s5], $0x800  }
0x56: {  	s22 =	sshll.u32 @!p1 s0, $0xB;
	s0 =	sadd.s32 @!p1 $0x1, s0;
	[sflag:s5] =	ssyncset.done $0x0  }
0x57: {  	s22 =	sadd.s32 @!p1 $0x9D00, s22;
	s16 =	simm.s32 $0x200;
	[sflag:s5] =	ssyncadd.s32 $0xFFFFF800  }
0x58: {  	[spmem:s2] =	stream.indirect.scatter.add.f32 [tilespmem:s23], [sflag:$0x5], $0x10, s17, s29, $0xb8;
	[tilespmem:$0xED00] =	vst v63  }
0x59: {  	s25 =	simm.s32 $0x6;
	s17 =	simm.s32 $0x1;
	s23 =	simm.s32 $0x5  }
0x5a: {  	s18 =	sand.u32 $0x3, s17;
	s17 =	simm.s32 $0x2;
	_ =	swait.ge @!p1 [sflag:s21], $0x800  }
0x5b: {  	[sflag:s21] =	ssyncset.done @!p1 $0x0;
	s31 =	sadd.s32 $0x1, s18;
	s30 =	sshll.u32 s18, $0xB  }
0x5c: {  	s18 =	sadd.s32 $0x5, s18;
	[sflag:s21] =	ssyncadd.s32 @!p1 $0xFFFFF800;
	s21 =	simm.s32 @!p1 $0x80  }
0x5d: {  	[tilespmem:s22], [sflag:s0] =	stream.indirect.gather @!p1 [hbm4b:s1+s21], $0x10, s16, s21, $0xb8;
	[tilespmem:$0xED00] =	vst v63  }
0x5e: {  	s21 =	sand.u32 $0x3, s17;
	s16 =	simm.s32 $0x4F80;
	_ =	swait.ge [sflag:s31], $0x800  }
0x5f: {  	s22 =	simm.s32 $0x280;
	s0 =	sadd.s32 $0x9D00, s30;
	[sflag:s31] =	ssyncset.done $0x0  }
0x60: {  	s24 =	sshll.u32 s21, $0xB;
	[sflag:s31] =	ssyncadd.s32 $0xFFFFF800;
	s31 =	simm.s32 $0x4F00  }
.LBB2_2:
0x61: {  	[spmem:s2] =	stream.indirect.scatter.add.f32 [tilespmem:s0], [sflag:s18], $0x10, s31, s29, $0xb8;
	[tilespmem:$0xED00] =	vst v63  }
0x62: {  	s0 =	smov.u32 s25;
	s18 =	smov.u32 s21;
	s19 =	smov.u32 s24  }
0x63: {  	s25 =	sadd.s32 $0x1, s25;
	p2 =	sgt.u32 s17, $0x99;
	s17 =	sadd.s32 $0xFFFFFFFD, s0  }
0x64: {  	p1 =	sne.s32 s25, $0xA0;
	s23 =	sand.u32 @!p2 $0x3, s23;
	s21 =	sand.u32 $0x3, s17  }
0x65: {  	s31 =	sadd.s32 @!p2 $0x5, s23;
	s4 =	sshll.u32 @!p2 s23, $0xB;
	s28 =	sadd.s32 @!p2 $0x1, s23  }
0x66: {  	s24 =	sshll.u32 s21, $0xB;
	s4 =	sadd.s32 @!p2 $0x9D00, s4;
	_ =	swait.ge @!p2 [sflag:s31], $0x800  }
0x67: {  	s30 =	sadd.s32 $0x1, s18;
	s23 =	smov.u32 s0;
	[sflag:s31] =	ssyncset.done @!p2 $0x0  }
.Ltmp2:
0x68: {  	s0 =	simm.s32 @!p2 $0x80;
	[sflag:s31] =	ssyncadd.s32 @!p2 $0xFFFFF800;
	(pc) =	sbr.rel @p1 .LBB2_2-.Ltmp2, $4  }
0x69: {  	[tilespmem:s4], [sflag:s28] =	stream.indirect.gather @!p2 [hbm4b:s1+s0], $0x10, s22, s0, $0xb8;
	[tilespmem:$0xED00] =	vst v63  }
0x6a: {  	s31 =	smov.u32 s16;
	_ =	swait.ge [sflag:s30], $0x800  }
0x6b: {  	s16 =	sadd.s32 $0x80, s16;
	s22 =	sadd.s32 $0x80, s22;
	[sflag:s30] =	ssyncset.done $0x0  }
0x6c: {  	s18 =	sadd.s32 $0x5, s18;
	s0 =	sadd.s32 $0x9D00, s19;
	[sflag:s30] =	ssyncadd.s32 $0xFFFFF800  }
0x6d: {  	[spmem:s2] =	stream.indirect.scatter.add.f32 [tilespmem:s0], [sflag:s18], $0x10, s31, s29, $0xb8;
	[tilespmem:$0xED00] =	vst v63  }
0x6e: {  	p1 =	sgt.u32 s17, $0x99  }
0x6f: {  	s0 =	sand.u32 @!p1 $0x3, s23  }
0x70: {  	s4 =	sadd.s32 @!p1 $0x5, s0  }
0x71: {  	s25 =	sadd.s32 $0x1, s21;
	_ =	swait.ge @!p1 [sflag:s4], $0x800  }
0x72: {  	s17 =	sshll.u32 @!p1 s0, $0xB;
	s0 =	sadd.s32 @!p1 $0x1, s0;
	[sflag:s4] =	ssyncset.done @!p1 $0x0  }
0x73: {  	s17 =	sadd.s32 @!p1 $0x9D00, s17;
	[sflag:s4] =	ssyncadd.s32 @!p1 $0xFFFFF800;
	s4 =	simm.s32 @!p1 $0x80  }
0x74: {  	[tilespmem:s17], [sflag:s0] =	stream.indirect.gather @!p1 [hbm4b:s1+s4], $0x10, s22, s4, $0xb8;
	[tilespmem:$0xED00] =	vst v63  }
0x75: {  	_ =	swait.ge [sflag:s25], $0x800  }
0x76: {  	[sflag:s25] =	ssyncset.done $0x0  }
0x77: {  	s28 =	sadd.s32 $0x9D00, s24;
	s30 =	sadd.s32 $0x5, s21;
	[sflag:s25] =	ssyncadd.s32 $0xFFFFF800  }
0x78: {  	[spmem:s2] =	stream.indirect.scatter.add.f32 [tilespmem:s28], [sflag:s30], $0x10, s16, s29, $0xb8;
	[tilespmem:$0xED00] =	vst v63  }
0x79: {  	_ =	swait.ge [sflag:s6], $0x800  }
0x7a: {  	[sflag:s6] =	ssyncset.done $0x0  }
0x7b: {  	[sflag:s6] =	ssyncadd.s32 $0xFFFFF800  }
0x7c: {  	_ =	swait.ge [sflag:s7], $0x800  }
0x7d: {  	[sflag:s7] =	ssyncset.done $0x0  }
0x7e: {  	[sflag:s7] =	ssyncadd.s32 $0xFFFFF800  }
0x7f: {  	_ =	swait.ge [sflag:s8], $0x800  }
0x80: {  	[sflag:s8] =	ssyncset.done $0x0  }
0x81: {  	[sflag:s8] =	ssyncadd.s32 $0xFFFFF800  }
0x82: {  	_ =	swait.ge [sflag:s9], $0x800  }
0x83: {  	[sflag:s9] =	ssyncset.done $0x0  }
0x84: {  	[sflag:s9] =	ssyncadd.s32 $0xFFFFF800  }
0x85: {  	[bflag:$0x0] =	sbarrier.arrive $0xFFFF  }
0x86: {  	s10 =	simm.s32 $0x10;
	s4 =	rddreg [dreg:$0x7]  }
0x87: {  	[hbm:s4@s10], [sflag:s13] =	dma.strided [spmem:s14@s11], $0x280, s5, $0x2   }
0x88: {  	_ =	swait.ge [sflag:s26], $0x280  }
0x89: {  	[sflag:s26] =	ssyncset.done $0x0  }
0x8a: {  	s16 =	rddreg [dreg:$0x8];
	[sflag:s26] =	ssyncadd.s32 $0xFFFFFD80  }
0x8b: {  	[hbm:s16@s10], [sflag:s13] =	dma.strided [spmem:s15@s11], $0x280, s5, $0x2   }
0x8c: {  	_ =	swait.ge [sflag:s26], $0x280  }
0x8d: {  	[sflag:s26] =	ssyncset.done $0x0  }
0x8e: {  	[sflag:s26] =	ssyncadd.s32 $0xFFFFFD80  }
0x8f: {  	[bflag:$0x0] =	sbarrier.arrive $0xFFFF  }
0x90: {  	[spmem:s14], [sflag:s13] =	dma.local [hbm:s20], $0x280  }
0x91: {  	_ =	swait.ge [sflag:s26], $0x280  }
0x92: {  	[sflag:s26] =	ssyncset.done $0x0  }
0x93: {  	[sflag:s26] =	ssyncadd.s32 $0xFFFFFD80  }
0x94: {  	[spmem:s15], [sflag:s13] =	dma.local [hbm:s20], $0x280  }
0x95: {  	_ =	swait.ge [sflag:s26], $0x280  }
0x96: {  	[sflag:s26] =	ssyncset.done $0x0  }
0x97: {  	s17 =	rddreg [dreg:$0x9];
	[sflag:s26] =	ssyncadd.s32 $0xFFFFFD80  }
0x98: {  	[tilespmem:s3], [sflag:$0x9] =	stream.linear.gather [hbm4b:s17+s3], $0x4E80, $0x38;
	[tilespmem:$0xED00] =	vst v63  }
0x99: {  	_ =	swait.ge [sflag:s26], $0x4E80  }
0x9a: {  	[sflag:s26] =	ssyncset.done $0x0  }
0x9b: {  	s18 =	simm.s32 $0x9D00;
	[sflag:s26] =	ssyncadd.s32 $0xFFFFB180  }
0x9c: {  	s19 =	simm.s32 $0xA500;
	s21 =	simm.s32 $0x100;
	[bflag:$0x0] =	sbarrier.arrive $0xFFFF  }
0x9d: {  	[tilespmem:s18], [sflag:$0x1] =	stream.indirect.gather [hbm4b:s1+s29], $0x10, s3, s29, $0xb8;
	[tilespmem:$0xED00] =	vst v63  }
0x9e: {  	s24 =	simm.s32 $0x4E80;
	s31 =	simm.s32 $0x4F00;
	s23 =	simm.s32 $0xB500  }
0x9f: {  	[tilespmem:s19], [sflag:$0x2] =	stream.indirect.gather [hbm4b:s1+s29], $0x10, s29, s29, $0xb8;
	[tilespmem:$0xED00] =	vst v63  }
0xa0: {  	s22 =	simm.s32 $0x180;
	s25 =	simm.s32 $0x1;
	s10 =	simm.s32 $0xAD00  }
0xa1: {  	[tilespmem:s10], [sflag:$0x3] =	stream.indirect.gather [hbm4b:s1+s29], $0x10, s21, s29, $0xb8;
	[tilespmem:$0xED00] =	vst v63  }
0xa2: {  	s0 =	simm.s32 $0x4;
	p1 =	por $0x0, $0x0;
	s28 =	sand.u32 $0x3, s25  }
0xa3: {  	[tilespmem:s23], [sflag:$0x4] =	stream.indirect.gather [hbm4b:s1+s29], $0x10, s22, s29, $0xb8;
	[tilespmem:$0xED00] =	vst v63  }
0xa4: {  	s0 =	sand.u32 @!p1 $0x3, s0;
	s30 =	sshll.u32 s28, $0xB;
	_ =	swait.ge [sflag:s5], $0x800  }
0xa5: {  	s4 =	simm.s32 $0x200;
	s16 =	sshll.u32 @!p1 s0, $0xB;
	[sflag:s5] =	ssyncset.done $0x0  }
0xa6: {  	s16 =	sadd.s32 @!p1 $0x9D00, s16;
	s17 =	sadd.s32 @!p1 $0x5, s0;
	[sflag:s5] =	ssyncadd.s32 $0xFFFFF800  }
0xa7: {  	[spmem:s2] =	stream.indirect.scatter.add.f32 [tilespmem:s18], [sflag:$0x5], $0x10, s24, s29, $0xb8;
	[tilespmem:$0xED00] =	vst v63  }
0xa8: {  	s0 =	sadd.s32 @!p1 $0x1, s0;
	s19 =	sadd.s32 $0x1, s28;
	_ =	swait.ge @!p1 [sflag:s17], $0x800  }
0xa9: {  	s21 =	simm.s32 $0x280;
	s22 =	simm.s32 $0x5;
	[sflag:s17] =	ssyncset.done @!p1 $0x0  }
0xaa: {  	s23 =	simm.s32 $0x2;
	[sflag:s17] =	ssyncadd.s32 @!p1 $0xFFFFF800;
	s17 =	simm.s32 @!p1 $0x80  }
0xab: {  	[tilespmem:s16], [sflag:s0] =	stream.indirect.gather @!p1 [hbm4b:s1+s17], $0x10, s4, s17, $0xb8;
	[tilespmem:$0xED00] =	vst v63  }
0xac: {  	s24 =	simm.s32 $0x6;
	s18 =	sadd.s32 $0x5, s28;
	_ =	swait.ge [sflag:s19], $0x800  }
0xad: {  	s17 =	sand.u32 $0x3, s23;
	s16 =	simm.s32 $0x4F80;
	[sflag:s19] =	ssyncset.done $0x0  }
0xae: {  	s0 =	sadd.s32 $0x9D00, s30;
	s25 =	sshll.u32 s17, $0xB;
	[sflag:s19] =	ssyncadd.s32 $0xFFFFF800  }
.LBB2_4:
0xaf: {  	[spmem:s2] =	stream.indirect.scatter.add.f32 [tilespmem:s0], [sflag:s18], $0x10, s31, s29, $0xb8;
	[tilespmem:$0xED00] =	vst v63  }
0xb0: {  	s0 =	smov.u32 s24;
	s4 =	smov.u32 s17;
	s18 =	smov.u32 s25  }
0xb1: {  	s24 =	sadd.s32 $0x1, s24;
	p2 =	sgt.u32 s23, $0x99;
	s23 =	sadd.s32 $0xFFFFFFFD, s0  }
0xb2: {  	p1 =	sne.s32 s24, $0xA0;
	s19 =	sand.u32 @!p2 $0x3, s22;
	s17 =	sand.u32 $0x3, s23  }
0xb3: {  	s28 =	sadd.s32 @!p2 $0x5, s19;
	s22 =	sshll.u32 @!p2 s19, $0xB;
	s19 =	sadd.s32 @!p2 $0x1, s19  }
0xb4: {  	s25 =	sshll.u32 s17, $0xB;
	s30 =	sadd.s32 @!p2 $0x9D00, s22;
	_ =	swait.ge @!p2 [sflag:s28], $0x800  }
0xb5: {  	s10 =	sadd.s32 $0x1, s4;
	s22 =	smov.u32 s0;
	[sflag:s28] =	ssyncset.done @!p2 $0x0  }
.Ltmp3:
0xb6: {  	s0 =	simm.s32 @!p2 $0x80;
	[sflag:s28] =	ssyncadd.s32 @!p2 $0xFFFFF800;
	(pc) =	sbr.rel @p1 .LBB2_4-.Ltmp3, $4  }
0xb7: {  	[tilespmem:s30], [sflag:s19] =	stream.indirect.gather @!p2 [hbm4b:s1+s0], $0x10, s21, s0, $0xb8;
	[tilespmem:$0xED00] =	vst v63  }
0xb8: {  	s31 =	smov.u32 s16;
	_ =	swait.ge [sflag:s10], $0x800  }
0xb9: {  	s16 =	sadd.s32 $0x80, s16;
	s21 =	sadd.s32 $0x80, s21;
	[sflag:s10] =	ssyncset.done $0x0  }
0xba: {  	s0 =	sadd.s32 $0x9D00, s18;
	s18 =	sadd.s32 $0x5, s4;
	[sflag:s10] =	ssyncadd.s32 $0xFFFFF800  }
0xbb: {  	[spmem:s2] =	stream.indirect.scatter.add.f32 [tilespmem:s0], [sflag:s18], $0x10, s31, s29, $0xb8;
	[tilespmem:$0xED00] =	vst v63  }
0xbc: {  	p1 =	sgt.u32 s23, $0x99  }
0xbd: {  	s0 =	sand.u32 @!p1 $0x3, s22  }
0xbe: {  	s4 =	sadd.s32 @!p1 $0x5, s0  }
0xbf: {  	s23 =	sadd.s32 $0x1, s17;
	_ =	swait.ge @!p1 [sflag:s4], $0x800  }
0xc0: {  	s10 =	sshll.u32 @!p1 s0, $0xB;
	s0 =	sadd.s32 @!p1 $0x1, s0;
	[sflag:s4] =	ssyncset.done @!p1 $0x0  }
0xc1: {  	s10 =	sadd.s32 @!p1 $0x9D00, s10;
	[sflag:s4] =	ssyncadd.s32 @!p1 $0xFFFFF800;
	s4 =	simm.s32 @!p1 $0x80  }
0xc2: {  	[tilespmem:s10], [sflag:s0] =	stream.indirect.gather @!p1 [hbm4b:s1+s4], $0x10, s21, s4, $0xb8;
	[tilespmem:$0xED00] =	vst v63  }
0xc3: {  	_ =	swait.ge [sflag:s23], $0x800  }
0xc4: {  	[sflag:s23] =	ssyncset.done $0x0  }
0xc5: {  	s24 =	sadd.s32 $0x9D00, s25;
	s25 =	sadd.s32 $0x5, s17;
	[sflag:s23] =	ssyncadd.s32 $0xFFFFF800  }
0xc6: {  	[spmem:s2] =	stream.indirect.scatter.add.f32 [tilespmem:s24], [sflag:s25], $0x10, s16, s29, $0xb8;
	[tilespmem:$0xED00] =	vst v63  }
0xc7: {  	_ =	swait.ge [sflag:s6], $0x800  }
0xc8: {  	[sflag:s6] =	ssyncset.done $0x0  }
0xc9: {  	[sflag:s6] =	ssyncadd.s32 $0xFFFFF800  }
0xca: {  	_ =	swait.ge [sflag:s7], $0x800  }
0xcb: {  	[sflag:s7] =	ssyncset.done $0x0  }
0xcc: {  	[sflag:s7] =	ssyncadd.s32 $0xFFFFF800  }
0xcd: {  	_ =	swait.ge [sflag:s8], $0x800  }
0xce: {  	[sflag:s8] =	ssyncset.done $0x0  }
0xcf: {  	[sflag:s8] =	ssyncadd.s32 $0xFFFFF800  }
0xd0: {  	_ =	swait.ge [sflag:s9], $0x800  }
0xd1: {  	[sflag:s9] =	ssyncset.done $0x0  }
0xd2: {  	[sflag:s9] =	ssyncadd.s32 $0xFFFFF800  }
0xd3: {  	[bflag:$0x0] =	sbarrier.arrive $0xFFFF  }
0xd4: {  	s30 =	simm.s32 $0x10;
	s28 =	rddreg [dreg:$0xa]  }
0xd5: {  	[hbm:s28@s30], [sflag:s13] =	dma.strided [spmem:s14@s11], $0x280, s5, $0x2   }
0xd6: {  	_ =	swait.ge [sflag:s26], $0x280  }
0xd7: {  	[sflag:s26] =	ssyncset.done $0x0  }
0xd8: {  	s10 =	rddreg [dreg:$0xb];
	[sflag:s26] =	ssyncadd.s32 $0xFFFFFD80  }
0xd9: {  	[hbm:s10@s30], [sflag:s13] =	dma.strided [spmem:s15@s11], $0x280, s5, $0x2   }
0xda: {  	_ =	swait.ge [sflag:s26], $0x280  }
0xdb: {  	[sflag:s26] =	ssyncset.done $0x0  }
0xdc: {  	[sflag:s26] =	ssyncadd.s32 $0xFFFFFD80  }
0xdd: {  	[bflag:$0x0] =	sbarrier.arrive $0xFFFF  }
0xde: {  	[spmem:s14], [sflag:s13] =	dma.local [hbm:s20], $0x280  }
0xdf: {  	_ =	swait.ge [sflag:s26], $0x280  }
0xe0: {  	[sflag:s26] =	ssyncset.done $0x0  }
0xe1: {  	[sflag:s26] =	ssyncadd.s32 $0xFFFFFD80  }
0xe2: {  	[spmem:s15], [sflag:s13] =	dma.local [hbm:s20], $0x280  }
0xe3: {  	_ =	swait.ge [sflag:s26], $0x280  }
0xe4: {  	[sflag:s26] =	ssyncset.done $0x0  }
0xe5: {  	s16 =	rddreg [dreg:$0xc];
	[sflag:s26] =	ssyncadd.s32 $0xFFFFFD80  }
0xe6: {  	[tilespmem:s3], [sflag:$0x9] =	stream.linear.gather [hbm4b:s16+s3], $0x4E80, $0x38;
	[tilespmem:$0xED00] =	vst v63  }
0xe7: {  	_ =	swait.ge [sflag:s26], $0x4E80  }
0xe8: {  	[sflag:s26] =	ssyncset.done $0x0  }
0xe9: {  	s17 =	simm.s32 $0x9D00;
	[sflag:s26] =	ssyncadd.s32 $0xFFFFB180  }
0xea: {  	s18 =	simm.s32 $0xA500;
	s19 =	simm.s32 $0x100;
	[bflag:$0x0] =	sbarrier.arrive $0xFFFF  }
0xeb: {  	[tilespmem:s17], [sflag:$0x1] =	stream.indirect.gather [hbm4b:s1+s29], $0x10, s3, s29, $0xb8;
	[tilespmem:$0xED00] =	vst v63  }
0xec: {  	s31 =	simm.s32 $0x4F00;
	s22 =	simm.s32 $0x180;
	s21 =	simm.s32 $0xAD00  }
0xed: {  	[tilespmem:s18], [sflag:$0x2] =	stream.indirect.gather [hbm4b:s1+s29], $0x10, s29, s29, $0xb8;
	[tilespmem:$0xED00] =	vst v63  }
0xee: {  	s0 =	simm.s32 $0x4;
	p1 =	por $0x0, $0x0;
	s4 =	simm.s32 $0x200  }
0xef: {  	[tilespmem:s21], [sflag:$0x3] =	stream.indirect.gather [hbm4b:s1+s29], $0x10, s19, s29, $0xb8;
	[tilespmem:$0xED00] =	vst v63  }
0xf0: {  	s0 =	sand.u32 @!p1 $0x3, s0;
	s23 =	simm.s32 $0xB500;
	s25 =	simm.s32 $0x1  }
0xf1: {  	[tilespmem:s23], [sflag:$0x4] =	stream.indirect.gather [hbm4b:s1+s29], $0x10, s22, s29, $0xb8;
	[tilespmem:$0xED00] =	vst v63  }
0xf2: {  	s24 =	simm.s32 $0x4E80;
	s10 =	sand.u32 $0x3, s25;
	_ =	swait.ge [sflag:s5], $0x800  }
0xf3: {  	s28 =	sadd.s32 $0x1, s10;
	s30 =	sshll.u32 s10, $0xB;
	[sflag:s5] =	ssyncset.done $0x0  }
0xf4: {  	s16 =	sadd.s32 @!p1 $0x5, s0;
	s18 =	sadd.s32 $0x5, s10;
	[sflag:s5] =	ssyncadd.s32 $0xFFFFF800  }
0xf5: {  	[spmem:s2] =	stream.indirect.scatter.add.f32 [tilespmem:s17], [sflag:$0x5], $0x10, s24, s29, $0xb8;
	[tilespmem:$0xED00] =	vst v63  }
0xf6: {  	s21 =	simm.s32 $0x280;
	s22 =	simm.s32 $0x5;
	_ =	swait.ge @!p1 [sflag:s16], $0x800  }
0xf7: {  	s17 =	sshll.u32 @!p1 s0, $0xB;
	s0 =	sadd.s32 @!p1 $0x1, s0;
	[sflag:s16] =	ssyncset.done @!p1 $0x0  }
0xf8: {  	s17 =	sadd.s32 @!p1 $0x9D00, s17;
	[sflag:s16] =	ssyncadd.s32 @!p1 $0xFFFFF800;
	s16 =	simm.s32 @!p1 $0x80  }
0xf9: {  	[tilespmem:s17], [sflag:s0] =	stream.indirect.gather @!p1 [hbm4b:s1+s16], $0x10, s4, s16, $0xb8;
	[tilespmem:$0xED00] =	vst v63  }
0xfa: {  	s23 =	simm.s32 $0x2;
	s24 =	simm.s32 $0x6;
	_ =	swait.ge [sflag:s28], $0x800  }
0xfb: {  	s17 =	sand.u32 $0x3, s23;
	s16 =	simm.s32 $0x4F80;
	[sflag:s28] =	ssyncset.done $0x0  }
0xfc: {  	s0 =	sadd.s32 $0x9D00, s30;
	s25 =	sshll.u32 s17, $0xB;
	[sflag:s28] =	ssyncadd.s32 $0xFFFFF800  }
.LBB2_6:
0xfd: {  	[spmem:s2] =	stream.indirect.scatter.add.f32 [tilespmem:s0], [sflag:s18], $0x10, s31, s29, $0xb8;
	[tilespmem:$0xED00] =	vst v63  }
0xfe: {  	s0 =	smov.u32 s24;
	s4 =	smov.u32 s17;
	s10 =	smov.u32 s25  }
0xff: {  	s24 =	sadd.s32 $0x1, s24;
	p2 =	sgt.u32 s23, $0x99;
	s23 =	sadd.s32 $0xFFFFFFFD, s0  }
0x100: {  	p1 =	sne.s32 s24, $0xA0;
	s18 =	sand.u32 @!p2 $0x3, s22;
	s17 =	sand.u32 $0x3, s23  }
0x101: {  	s19 =	sadd.s32 @!p2 $0x5, s18;
	s22 =	sshll.u32 @!p2 s18, $0xB;
	s18 =	sadd.s32 @!p2 $0x1, s18  }
0x102: {  	s25 =	sshll.u32 s17, $0xB;
	s28 =	sadd.s32 @!p2 $0x9D00, s22;
	_ =	swait.ge @!p2 [sflag:s19], $0x800  }
0x103: {  	s30 =	sadd.s32 $0x1, s4;
	s22 =	smov.u32 s0;
	[sflag:s19] =	ssyncset.done @!p2 $0x0  }
.Ltmp4:
0x104: {  	s0 =	simm.s32 @!p2 $0x80;
	[sflag:s19] =	ssyncadd.s32 @!p2 $0xFFFFF800;
	(pc) =	sbr.rel @p1 .LBB2_6-.Ltmp4, $4  }
0x105: {  	[tilespmem:s28], [sflag:s18] =	stream.indirect.gather @!p2 [hbm4b:s1+s0], $0x10, s21, s0, $0xb8;
	[tilespmem:$0xED00] =	vst v63  }
0x106: {  	s31 =	smov.u32 s16;
	_ =	swait.ge [sflag:s30], $0x800  }
0x107: {  	s16 =	sadd.s32 $0x80, s16;
	s21 =	sadd.s32 $0x80, s21;
	[sflag:s30] =	ssyncset.done $0x0  }
0x108: {  	s0 =	sadd.s32 $0x9D00, s10;
	s18 =	sadd.s32 $0x5, s4;
	[sflag:s30] =	ssyncadd.s32 $0xFFFFF800  }
0x109: {  	[spmem:s2] =	stream.indirect.scatter.add.f32 [tilespmem:s0], [sflag:s18], $0x10, s31, s29, $0xb8;
	[tilespmem:$0xED00] =	vst v63  }
0x10a: {  	p1 =	sgt.u32 s23, $0x99  }
0x10b: {  	s0 =	sand.u32 @!p1 $0x3, s22  }
0x10c: {  	s4 =	sadd.s32 @!p1 $0x5, s0  }
0x10d: {  	s23 =	sadd.s32 $0x1, s17;
	_ =	swait.ge @!p1 [sflag:s4], $0x800  }
0x10e: {  	s10 =	sshll.u32 @!p1 s0, $0xB;
	s0 =	sadd.s32 @!p1 $0x1, s0;
	[sflag:s4] =	ssyncset.done @!p1 $0x0  }
0x10f: {  	s10 =	sadd.s32 @!p1 $0x9D00, s10;
	[sflag:s4] =	ssyncadd.s32 @!p1 $0xFFFFF800;
	s4 =	simm.s32 @!p1 $0x80  }
0x110: {  	[tilespmem:s10], [sflag:s0] =	stream.indirect.gather @!p1 [hbm4b:s1+s4], $0x10, s21, s4, $0xb8;
	[tilespmem:$0xED00] =	vst v63  }
0x111: {  	_ =	swait.ge [sflag:s23], $0x800  }
0x112: {  	[sflag:s23] =	ssyncset.done $0x0  }
0x113: {  	s24 =	sadd.s32 $0x9D00, s25;
	s25 =	sadd.s32 $0x5, s17;
	[sflag:s23] =	ssyncadd.s32 $0xFFFFF800  }
0x114: {  	[spmem:s2] =	stream.indirect.scatter.add.f32 [tilespmem:s24], [sflag:s25], $0x10, s16, s29, $0xb8;
	[tilespmem:$0xED00] =	vst v63  }
0x115: {  	_ =	swait.ge [sflag:s6], $0x800  }
0x116: {  	[sflag:s6] =	ssyncset.done $0x0  }
0x117: {  	[sflag:s6] =	ssyncadd.s32 $0xFFFFF800  }
0x118: {  	_ =	swait.ge [sflag:s7], $0x800  }
0x119: {  	[sflag:s7] =	ssyncset.done $0x0  }
0x11a: {  	[sflag:s7] =	ssyncadd.s32 $0xFFFFF800  }
0x11b: {  	_ =	swait.ge [sflag:s8], $0x800  }
0x11c: {  	[sflag:s8] =	ssyncset.done $0x0  }
0x11d: {  	[sflag:s8] =	ssyncadd.s32 $0xFFFFF800  }
0x11e: {  	_ =	swait.ge [sflag:s9], $0x800  }
0x11f: {  	[sflag:s9] =	ssyncset.done $0x0  }
0x120: {  	[sflag:s9] =	ssyncadd.s32 $0xFFFFF800  }
0x121: {  	[bflag:$0x0] =	sbarrier.arrive $0xFFFF  }
0x122: {  	s30 =	simm.s32 $0x10;
	s28 =	rddreg [dreg:$0xd]  }
0x123: {  	[hbm:s28@s30], [sflag:s13] =	dma.strided [spmem:s14@s11], $0x280, s5, $0x2   }
0x124: {  	_ =	swait.ge [sflag:s26], $0x280  }
0x125: {  	[sflag:s26] =	ssyncset.done $0x0  }
0x126: {  	s10 =	rddreg [dreg:$0xe];
	[sflag:s26] =	ssyncadd.s32 $0xFFFFFD80  }
0x127: {  	[hbm:s10@s30], [sflag:s13] =	dma.strided [spmem:s15@s11], $0x280, s5, $0x2   }
0x128: {  	_ =	swait.ge [sflag:s26], $0x280  }
0x129: {  	[sflag:s26] =	ssyncset.done $0x0  }
0x12a: {  	[sflag:s26] =	ssyncadd.s32 $0xFFFFFD80  }
0x12b: {  	[bflag:$0x0] =	sbarrier.arrive $0xFFFF  }
0x12c: {  	[spmem:s14], [sflag:s13] =	dma.local [hbm:s20], $0x280  }
0x12d: {  	_ =	swait.ge [sflag:s26], $0x280  }
0x12e: {  	[sflag:s26] =	ssyncset.done $0x0  }
0x12f: {  	[sflag:s26] =	ssyncadd.s32 $0xFFFFFD80  }
0x130: {  	[spmem:s15], [sflag:s13] =	dma.local [hbm:s20], $0x280  }
0x131: {  	_ =	swait.ge [sflag:s26], $0x280  }
0x132: {  	[sflag:s26] =	ssyncset.done $0x0  }
0x133: {  	s16 =	rddreg [dreg:$0xf];
	[sflag:s26] =	ssyncadd.s32 $0xFFFFFD80  }
0x134: {  	[tilespmem:s3], [sflag:$0x9] =	stream.linear.gather [hbm4b:s16+s3], $0x4E80, $0x38;
	[tilespmem:$0xED00] =	vst v63  }
0x135: {  	_ =	swait.ge [sflag:s26], $0x4E80  }
0x136: {  	[sflag:s26] =	ssyncset.done $0x0  }
0x137: {  	s17 =	simm.s32 $0x9D00;
	[sflag:s26] =	ssyncadd.s32 $0xFFFFB180  }
0x138: {  	s18 =	simm.s32 $0xA500;
	s19 =	simm.s32 $0x100;
	[bflag:$0x0] =	sbarrier.arrive $0xFFFF  }
0x139: {  	[tilespmem:s17], [sflag:$0x1] =	stream.indirect.gather [hbm4b:s1+s29], $0x10, s3, s29, $0xb8;
	[tilespmem:$0xED00] =	vst v63  }
0x13a: {  	s31 =	simm.s32 $0x4F00;
	s22 =	simm.s32 $0x180;
	s21 =	simm.s32 $0xAD00  }
0x13b: {  	[tilespmem:s18], [sflag:$0x2] =	stream.indirect.gather [hbm4b:s1+s29], $0x10, s29, s29, $0xb8;
	[tilespmem:$0xED00] =	vst v63  }
0x13c: {  	s0 =	simm.s32 $0x4;
	p1 =	por $0x0, $0x0;
	s4 =	simm.s32 $0x200  }
0x13d: {  	[tilespmem:s21], [sflag:$0x3] =	stream.indirect.gather [hbm4b:s1+s29], $0x10, s19, s29, $0xb8;
	[tilespmem:$0xED00] =	vst v63  }
0x13e: {  	s0 =	sand.u32 @!p1 $0x3, s0;
	s23 =	simm.s32 $0xB500;
	s25 =	simm.s32 $0x1  }
0x13f: {  	[tilespmem:s23], [sflag:$0x4] =	stream.indirect.gather [hbm4b:s1+s29], $0x10, s22, s29, $0xb8;
	[tilespmem:$0xED00] =	vst v63  }
0x140: {  	s24 =	simm.s32 $0x4E80;
	s10 =	sand.u32 $0x3, s25;
	_ =	swait.ge [sflag:s5], $0x800  }
0x141: {  	s28 =	sadd.s32 $0x1, s10;
	s30 =	sshll.u32 s10, $0xB;
	[sflag:s5] =	ssyncset.done $0x0  }
0x142: {  	s16 =	sadd.s32 @!p1 $0x5, s0;
	s18 =	sadd.s32 $0x5, s10;
	[sflag:s5] =	ssyncadd.s32 $0xFFFFF800  }
0x143: {  	[spmem:s2] =	stream.indirect.scatter.add.f32 [tilespmem:s17], [sflag:$0x5], $0x10, s24, s29, $0xb8;
	[tilespmem:$0xED00] =	vst v63  }
0x144: {  	s21 =	simm.s32 $0x280;
	s22 =	simm.s32 $0x5;
	_ =	swait.ge @!p1 [sflag:s16], $0x800  }
0x145: {  	s17 =	sshll.u32 @!p1 s0, $0xB;
	s0 =	sadd.s32 @!p1 $0x1, s0;
	[sflag:s16] =	ssyncset.done @!p1 $0x0  }
0x146: {  	s17 =	sadd.s32 @!p1 $0x9D00, s17;
	[sflag:s16] =	ssyncadd.s32 @!p1 $0xFFFFF800;
	s16 =	simm.s32 @!p1 $0x80  }
0x147: {  	[tilespmem:s17], [sflag:s0] =	stream.indirect.gather @!p1 [hbm4b:s1+s16], $0x10, s4, s16, $0xb8;
	[tilespmem:$0xED00] =	vst v63  }
0x148: {  	s23 =	simm.s32 $0x2;
	s24 =	simm.s32 $0x6;
	_ =	swait.ge [sflag:s28], $0x800  }
0x149: {  	s17 =	sand.u32 $0x3, s23;
	s16 =	simm.s32 $0x4F80;
	[sflag:s28] =	ssyncset.done $0x0  }
0x14a: {  	s0 =	sadd.s32 $0x9D00, s30;
	s25 =	sshll.u32 s17, $0xB;
	[sflag:s28] =	ssyncadd.s32 $0xFFFFF800  }
.LBB2_8:
0x14b: {  	[spmem:s2] =	stream.indirect.scatter.add.f32 [tilespmem:s0], [sflag:s18], $0x10, s31, s29, $0xb8;
	[tilespmem:$0xED00] =	vst v63  }
0x14c: {  	s0 =	smov.u32 s24;
	s4 =	smov.u32 s17;
	s10 =	smov.u32 s25  }
0x14d: {  	s24 =	sadd.s32 $0x1, s24;
	p2 =	sgt.u32 s23, $0x99;
	s23 =	sadd.s32 $0xFFFFFFFD, s0  }
0x14e: {  	p1 =	sne.s32 s24, $0xA0;
	s18 =	sand.u32 @!p2 $0x3, s22;
	s17 =	sand.u32 $0x3, s23  }
0x14f: {  	s19 =	sadd.s32 @!p2 $0x5, s18;
	s22 =	sshll.u32 @!p2 s18, $0xB;
	s18 =	sadd.s32 @!p2 $0x1, s18  }
0x150: {  	s25 =	sshll.u32 s17, $0xB;
	s28 =	sadd.s32 @!p2 $0x9D00, s22;
	_ =	swait.ge @!p2 [sflag:s19], $0x800  }
0x151: {  	s30 =	sadd.s32 $0x1, s4;
	s22 =	smov.u32 s0;
	[sflag:s19] =	ssyncset.done @!p2 $0x0  }
.Ltmp5:
0x152: {  	s0 =	simm.s32 @!p2 $0x80;
	[sflag:s19] =	ssyncadd.s32 @!p2 $0xFFFFF800;
	(pc) =	sbr.rel @p1 .LBB2_8-.Ltmp5, $4  }
0x153: {  	[tilespmem:s28], [sflag:s18] =	stream.indirect.gather @!p2 [hbm4b:s1+s0], $0x10, s21, s0, $0xb8;
	[tilespmem:$0xED00] =	vst v63  }
0x154: {  	s31 =	smov.u32 s16;
	_ =	swait.ge [sflag:s30], $0x800  }
0x155: {  	s16 =	sadd.s32 $0x80, s16;
	s21 =	sadd.s32 $0x80, s21;
	[sflag:s30] =	ssyncset.done $0x0  }
0x156: {  	s0 =	sadd.s32 $0x9D00, s10;
	s18 =	sadd.s32 $0x5, s4;
	[sflag:s30] =	ssyncadd.s32 $0xFFFFF800  }
0x157: {  	[spmem:s2] =	stream.indirect.scatter.add.f32 [tilespmem:s0], [sflag:s18], $0x10, s31, s29, $0xb8;
	[tilespmem:$0xED00] =	vst v63  }
0x158: {  	p1 =	sgt.u32 s23, $0x99  }
0x159: {  	s0 =	sand.u32 @!p1 $0x3, s22  }
0x15a: {  	s4 =	sadd.s32 @!p1 $0x5, s0  }
0x15b: {  	s23 =	sadd.s32 $0x1, s17;
	_ =	swait.ge @!p1 [sflag:s4], $0x800  }
0x15c: {  	s10 =	sshll.u32 @!p1 s0, $0xB;
	s0 =	sadd.s32 @!p1 $0x1, s0;
	[sflag:s4] =	ssyncset.done @!p1 $0x0  }
0x15d: {  	s10 =	sadd.s32 @!p1 $0x9D00, s10;
	[sflag:s4] =	ssyncadd.s32 @!p1 $0xFFFFF800;
	s4 =	simm.s32 @!p1 $0x80  }
0x15e: {  	[tilespmem:s10], [sflag:s0] =	stream.indirect.gather @!p1 [hbm4b:s1+s4], $0x10, s21, s4, $0xb8;
	[tilespmem:$0xED00] =	vst v63  }
0x15f: {  	_ =	swait.ge [sflag:s23], $0x800  }
0x160: {  	[sflag:s23] =	ssyncset.done $0x0  }
0x161: {  	s24 =	sadd.s32 $0x9D00, s25;
	s25 =	sadd.s32 $0x5, s17;
	[sflag:s23] =	ssyncadd.s32 $0xFFFFF800  }
0x162: {  	[spmem:s2] =	stream.indirect.scatter.add.f32 [tilespmem:s24], [sflag:s25], $0x10, s16, s29, $0xb8;
	[tilespmem:$0xED00] =	vst v63  }
0x163: {  	_ =	swait.ge [sflag:s6], $0x800  }
0x164: {  	[sflag:s6] =	ssyncset.done $0x0  }
0x165: {  	[sflag:s6] =	ssyncadd.s32 $0xFFFFF800  }
0x166: {  	_ =	swait.ge [sflag:s7], $0x800  }
0x167: {  	[sflag:s7] =	ssyncset.done $0x0  }
0x168: {  	[sflag:s7] =	ssyncadd.s32 $0xFFFFF800  }
0x169: {  	_ =	swait.ge [sflag:s8], $0x800  }
0x16a: {  	[sflag:s8] =	ssyncset.done $0x0  }
0x16b: {  	[sflag:s8] =	ssyncadd.s32 $0xFFFFF800  }
0x16c: {  	_ =	swait.ge [sflag:s9], $0x800  }
0x16d: {  	[sflag:s9] =	ssyncset.done $0x0  }
0x16e: {  	[sflag:s9] =	ssyncadd.s32 $0xFFFFF800  }
0x16f: {  	[bflag:$0x0] =	sbarrier.arrive $0xFFFF  }
0x170: {  	s30 =	simm.s32 $0x10;
	s28 =	rddreg [dreg:$0x10]  }
0x171: {  	[hbm:s28@s30], [sflag:s13] =	dma.strided [spmem:s14@s11], $0x280, s5, $0x2   }
0x172: {  	_ =	swait.ge [sflag:s26], $0x280  }
0x173: {  	[sflag:s26] =	ssyncset.done $0x0  }
0x174: {  	s31 =	rddreg [dreg:$0x11];
	[sflag:s26] =	ssyncadd.s32 $0xFFFFFD80  }
0x175: {  	[hbm:s31@s30], [sflag:s13] =	dma.strided [spmem:s15@s11], $0x280, s5, $0x2   }
.Ltmp6:
0x176: {  	_ =	swait.ge [sflag:s26], $0x280;
	(pc) =	sbr.rel @p0 .LBB2_13-.Ltmp6, $3  }
0x177: {  	[sflag:s26] =	ssyncset.done $0x0  }
0x178: {  	[sflag:s26] =	ssyncadd.s32 $0xFFFFFD80  }
0x179: {  	[bflag:$0x0] =	sbarrier.arrive $0xFFFF;
	_ =	sdelay $0x1  }
0x17a: {  	[spmem:s14], [sflag:s13] =	dma.local [hbm:s20], $0x280  }
0x17b: {  	_ =	swait.ge [sflag:s26], $0x280  }
0x17c: {  	[sflag:s26] =	ssyncset.done $0x0  }
0x17d: {  	[sflag:s26] =	ssyncadd.s32 $0xFFFFFD80  }
0x17e: {  	[spmem:s15], [sflag:s13] =	dma.local [hbm:s20], $0x280  }
0x17f: {  	_ =	swait.ge [sflag:s26], $0x280  }
0x180: {  	[sflag:s26] =	ssyncset.done $0x0  }
0x181: {  	[sflag:s26] =	ssyncadd.s32 $0xFFFFFD80  }
0x182: {  	s0 =	simm.s32 $0xBD00;
	s4 =	simm.s32 $0x4E80;
	[bflag:$0x0] =	sbarrier.arrive $0xFFFF  }
0x183: {  	[spmem:s2] =	stream.indirect.scatter.add.f32 [tilespmem:s0], [sflag:$0x1], $0x10, s4, s29, $0xb8;
	[tilespmem:$0xED00] =	vst v63  }
0x184: {  	s25 =	simm.s32 $0x4F00  }
0x185: {  	[spmem:s2] =	stream.indirect.scatter.add.f32 [tilespmem:s0], [sflag:$0x2], $0x10, s25, s29, $0xb8;
	[tilespmem:$0xED00] =	vst v63  }
0x186: {  	s28 =	simm.s32 $0x4F80  }
0x187: {  	[spmem:s2] =	stream.indirect.scatter.add.f32 [tilespmem:s0], [sflag:$0x3], $0x10, s28, s29, $0xb8;
	[tilespmem:$0xED00] =	vst v63  }
0x188: {  	s30 =	simm.s32 $0x5000;
	s31 =	simm.s32 $0x0  }
0x189: {  	[spmem:s2] =	stream.indirect.scatter.add.f32 [tilespmem:s0], [sflag:$0x4], $0x10, s30, s29, $0xb8;
	[tilespmem:$0xED00] =	vst v63  }
0x18a: {  	s0 =	sand.u32 $0x3, s31  }
0x18b: {  	s21 =	sadd.s32 $0x1, s0  }
0x18c: {  	s16 =	simm.s32 $0x5080;
	s17 =	simm.s32 $0x1;
	_ =	swait.ge [sflag:s21], $0x800  }
0x18d: {  	p1 =	por $0x0, $0x0;
	s22 =	simm.s32 $0x5100;
	[sflag:s21] =	ssyncset.done $0x0  }
0x18e: {  	s18 =	simm.s32 @!p1 $0xBD00;
	s0 =	simm.s32 @!p1 $0x80;
	[sflag:s21] =	ssyncadd.s32 $0xFFFFF800  }
.LBB2_11:
0x18f: {  	[spmem:s2] =	stream.indirect.scatter.add.f32 @!p1 [tilespmem:s18], [sflag:s21], $0x10, s16, s0, $0xb8;
	[tilespmem:$0xED00] =	vst v63  }
0x190: {  	s0 =	smov.u32 s17;
	s17 =	sadd.s32 $0x1, s17  }
0x191: {  	s16 =	smov.u32 s22;
	p2 =	sne.s32 s17, $0x9D  }
.Ltmp7:
0x192: {  	s4 =	sand.u32 $0x3, s0;
	(pc) =	sbr.rel @p2 .LBB2_11-.Ltmp7, $4  }
0x193: {  	s21 =	sadd.s32 $0x1, s4  }
0x194: {  	_ =	swait.ge [sflag:s21], $0x800  }
0x195: {  	s22 =	sadd.s32 $0x80, s22;
	p1 =	sgt.u32 s0, $0x98;
	[sflag:s21] =	ssyncset.done $0x0  }
0x196: {  	s0 =	simm.s32 @!p1 $0x80;
	s18 =	simm.s32 @!p1 $0xBD00;
	[sflag:s21] =	ssyncadd.s32 $0xFFFFF800  }
.Ltmp8:
0x197: {  	_ = 	snop;
	(pc) =	sbr.rel .LBB2_12-.Ltmp8, $1  }
0x198: {  	_ =	sdelay $0x3  }
.LBB2_14:
0x199: {  	_ =	sfence.sel $0x180000  }
0x19a: {  	[bflag:$0x0] =	sbarrier.arrive $0xFFFF  }
0x19b: {  	_ =	strace $0x90000047  }
0x19c: {  	s0 =	stileid.u32;
	[bflag:$0x2] =	sbarrier.arrive $0xFFFF  }
0x19d: {  	p0 =	sne.s32 s0, $0x0;
	s0 =	rddreg [dreg:$0x4]  }
0x19e: {  	s0 =	sadd.s32 @!p0 $0x100000, s0  }
0x19f: {  	[sflag:s0] =	ssyncadd.tile.s32 @!p0 $0x1;
	_ =	shalt  }
.Lfunc_end2:
_tile_overlayer_lowered:
.L_overlay_start_2:
0x1a0: {  	(tag) =	ssettag $0x2  }
0x1a1: {  	s0 =	rddreg [dreg:$0x0];
	s2 =	stileid.u32  }
0x1a2: {  	s1 =	rddreg [dreg:$0x1];
	p0 =	sne.s32 s2, $0x0  }
0x1a3: {  	s3 =	rddreg [dreg:$0x2];
	[bflag:$0x3] =	sbarrier.arrive $0xFFFF;
	s2 =	simm.s32 @!p0 $0x1C09  }
0x1a4: {  	[timem:s3], [sflag:s2] =	dma.local @!p0 [hbm:s0], s1  }
0x1a5: {  	s0 =	simm.s32 @!p0 $0x9  }
0x1a6: {  	_ =	swait.ge @!p0 [sflag:s0], s1  }
0x1a7: {  	s1 =	ssub.s32 @!p0 $0x0, s1;
	[sflag:s0] =	ssyncset.done @!p0 $0x0  }
0x1a8: {  	[sflag:s0] =	ssyncadd.s32 @!p0 s1  }
0x1a9: {  	[bflag:$0x3] =	sbarrier.arrive $0xFFFF  }
0x1aa: {  	_ =	shalt  }

</sc_bundles>
